<compile_context>
chip_gen: v7x
topology: tpu7x:2x2x1
jax: 0.10.2.dev20260603
libtpu: 0.0.44.dev20260713+nightly
codegen_flags: <defaults>
</compile_context>

<pallas_src>
import jax
import jax.numpy as jnp
from jax import lax
from jax.experimental import pallas as pl
from jax.experimental.pallas import tpu as pltpu
from jax.experimental.pallas import tpu_sc as plsc

N = 10000
D = 128
HW = D // 4
NPAD = 10240
BATCH = 128
KBLOCKS = 160
EPAD = 16 * KBLOCKS * BATCH
RPT = NPAD // 16
QROWS = NPAD // D


def _make_sc_agg():
    mesh = plsc.VectorSubcoreMesh(core_axis_name="c", subcore_axis_name="s")
    out_type = jax.ShapeDtypeStruct((2, NPAD, D // 2), jnp.float32)
    kh = KBLOCKS // 2
    scratch = [
        pltpu.VMEM((kh, BATCH), jnp.int32),
        pltpu.VMEM((kh, BATCH), jnp.int32),
        pltpu.VMEM((2, BATCH, D // 2), jnp.float32),
        pltpu.VMEM_SHARED((NPAD, D // 2), jnp.float32),
        pltpu.VMEM_SHARED((N, D // 2), jnp.float32),
        pltpu.SemaphoreType.DMA,
        pltpu.SemaphoreType.DMA,
    ]

    def body(x_h, src_h, dst_h, zacc_h, acc_o,
             src_v, dst_v, rows_v, acc_sh, xsp, gsem, ssem):
        cid = lax.axis_index("c")
        sid = lax.axis_index("s")
        r0 = sid * RPT
        pltpu.sync_copy(x_h.at[pl.ds(sid * (N // 16), N // 16),
                               pl.ds(cid * (D // 2), D // 2)],
                        xsp.at[pl.ds(sid * (N // 16), N // 16)])
        pltpu.sync_copy(zacc_h, acc_sh.at[pl.ds(r0, RPT)])
        pltpu.sync_copy(src_h.at[sid, pl.ds(0, kh)], src_v)
        pltpu.sync_copy(dst_h.at[sid, pl.ds(0, kh)], dst_v)
        plsc.subcore_barrier()

        pltpu.async_copy(xsp.at[src_v.at[0]], rows_v.at[0], gsem)

        def step(j, c):
            p = j & 1
            pltpu.make_async_copy(x_h.at[pl.ds(0, BATCH), pl.ds(0, D // 2)],
                                  rows_v.at[p], gsem).wait()

            @pl.when(j > 0)
            def _():
                pltpu.make_async_copy(rows_v.at[1 - p],
                                      acc_sh.at[dst_v.at[(j - 1) % kh]],
                                      ssem).wait()

            @pl.when(j == kh - 1)
            def _():
                pltpu.sync_copy(src_h.at[sid, pl.ds(kh, kh)], src_v)

            @pl.when(j == kh)
            def _():
                pltpu.sync_copy(dst_h.at[sid, pl.ds(kh, kh)], dst_v)

            @pl.when(j < KBLOCKS - 1)
            def _():
                pltpu.async_copy(xsp.at[src_v.at[(j + 1) % kh]], rows_v.at[1 - p],
                                 gsem)

            pltpu.async_copy(rows_v.at[p], acc_sh.at[dst_v.at[j % kh]], ssem,
                             add=True)
            return c

        lax.fori_loop(0, KBLOCKS, step, 0)
        pltpu.make_async_copy(rows_v.at[(KBLOCKS - 1) & 1],
                              acc_sh.at[dst_v.at[(KBLOCKS - 1) % kh]],
                              ssem).wait()
        plsc.subcore_barrier()
        pltpu.sync_copy(acc_sh.at[pl.ds(r0, RPT)], acc_o.at[cid, pl.ds(r0, RPT)])

    return pl.kernel(body, mesh=mesh, out_type=out_type, scratch_types=scratch,
                     compiler_params=pltpu.CompilerParams(use_tc_tiling_on_sc=False,
                                                          needs_layout_passes=False))


_sc_agg = _make_sc_agg()

_EB = 12800


def _deg_body(d_r, o_r):
    i = pl.program_id(0)
    q = d_r[0] >> 7
    r = d_r[0] & 127
    kq = lax.broadcasted_iota(jnp.int32, (QROWS, _EB), 0)
    kr = lax.broadcasted_iota(jnp.int32, (D, _EB), 0)
    oq = (q == kq).astype(jnp.bfloat16)
    orr = (r == kr).astype(jnp.bfloat16)
    p = lax.dot_general(oq, orr, (((1,), (1,)), ((), ())),
                        preferred_element_type=jnp.float32)

    @pl.when(i == 0)
    def _():
        o_r[...] = jnp.zeros_like(o_r)

    o_r[...] += p


def _deg_slab(dst):
    e = dst.shape[0]
    return pl.pallas_call(
        _deg_body,
        grid=(e // _EB,),
        in_specs=[pl.BlockSpec((1, 1, _EB), lambda i: (i, 0, 0))],
        out_specs=pl.BlockSpec((QROWS, D), lambda i: (0, 0)),
        out_shape=jax.ShapeDtypeStruct((QROWS, D), jnp.float32),
    )(dst.reshape(e // _EB, 1, _EB))


def _make_tc_combine(relu):
    BR = 1280
    B3 = BR // D

    def body(a0, a1, dg, xr, wl, b, wr, o):
        agg = jnp.concatenate([a0[0], a1[0]], axis=1)
        inv = 1.0 / jnp.maximum(dg[0], 1.0)
        eye = (lax.broadcasted_iota(jnp.int32, (1, D, D), 1)
               == lax.broadcasted_iota(jnp.int32, (1, D, D), 2))
        diag3 = inv.reshape(B3, 1, D) * eye.astype(jnp.float32)
        agg3 = agg.reshape(B3, D, D)
        scaled = lax.dot_general(diag3, agg3, (((2,), (1,)), ((0,), (0,))),
                                 preferred_element_type=jnp.float32)
        acc = jnp.dot(scaled.reshape(BR, D), wl[...],
                      preferred_element_type=jnp.float32)
        acc += b[...] + jnp.dot(xr[...], wr[...],
                                preferred_element_type=jnp.float32)
        if relu:
            acc = jnp.maximum(acc, 0.0)
        o[...] = acc

    return pl.pallas_call(
        body,
        grid=(NPAD // BR,),
        in_specs=[
            pl.BlockSpec((1, BR, D // 2), lambda i: (0, i, 0)),
            pl.BlockSpec((1, BR, D // 2), lambda i: (1, i, 0)),
            pl.BlockSpec((1, BR // D, D), lambda i: (i, 0, 0)),
            pl.BlockSpec((BR, D), lambda i: (i, 0)),
            pl.BlockSpec((D, D), lambda i: (0, 0)),
            pl.BlockSpec((1, D), lambda i: (0, 0)),
            pl.BlockSpec((D, D), lambda i: (0, 0)),
        ],
        out_specs=pl.BlockSpec((BR, D), lambda i: (i, 0)),
        out_shape=jax.ShapeDtypeStruct((N, D), jnp.float32),
    )


_tc_relu = _make_tc_combine(True)
_tc_plain = _make_tc_combine(False)


def kernel(x, edge_index, Wl1, bl1, Wr1, Wl2, bl2, Wr2):
    src = edge_index[0]
    dst = edge_index[1]
    e = src.shape[0]
    pad = EPAD - e
    srcp = jnp.concatenate([src, jnp.zeros((pad,), src.dtype)]).reshape(16, KBLOCKS, BATCH)
    dstp = jnp.concatenate([dst, jnp.full((pad,), NPAD - 1, dst.dtype)]).reshape(16, KBLOCKS, BATCH)
    zacc = jnp.zeros((RPT, D // 2), jnp.float32)

    deg = _deg_slab(dst)
    deg3 = deg.reshape(NPAD // 1280, 1280 // D, D)
    acc1 = _sc_agg(x, srcp, dstp, zacc)
    h = _tc_relu(acc1, acc1, deg3, x, Wl1.T, bl1.reshape(1, D), Wr1.T)
    acc2 = _sc_agg(h, srcp, dstp, zacc)
    out = _tc_plain(acc2, acc2, deg3, h, Wl2.T, bl2.reshape(1, D), Wr2.T)
    return out

# --- scband reference (transcript-rebuilt; emitter-appended) ---
"""Pipeline reference for scband-homo-gnn-71897752535764 (READ-ONLY COPY).

The authoritative reference and input builder live on the scoring server;
editing this copy changes nothing except your own understanding.
"""

import jax, jax.numpy as jnp
import numpy as np

N = 10000
E = 320000
D_IN = 128
D_HID = 128
D_OUT = 128


def setup_inputs(seed: int = 0) -> dict:
    key = jax.random.key(seed)
    ks = jax.random.split(key, 9)
    x = jax.random.normal(ks[0], (N, D_IN), dtype=jnp.float32)
    edge_index = jax.random.randint(ks[1], (2, E), 0, N, dtype=jnp.int32)
    s1 = 1.0 / np.sqrt(D_IN)
    s2 = 1.0 / np.sqrt(D_HID)
    Wl1 = jax.random.normal(ks[2], (D_HID, D_IN), dtype=jnp.float32) * s1
    bl1 = jnp.zeros((D_HID,), dtype=jnp.float32)
    Wr1 = jax.random.normal(ks[3], (D_HID, D_IN), dtype=jnp.float32) * s1
    Wl2 = jax.random.normal(ks[4], (D_OUT, D_HID), dtype=jnp.float32) * s2
    bl2 = jnp.zeros((D_OUT,), dtype=jnp.float32)
    Wr2 = jax.random.normal(ks[5], (D_OUT, D_HID), dtype=jnp.float32) * s2
    return {"x": x, "edge_index": edge_index, "Wl1": Wl1, "bl1": bl1, "Wr1": Wr1, "Wl2": Wl2, "bl2": bl2, "Wr2": Wr2}


def _sage_conv(x, src, dst, Wl, bl, Wr):
    # PyG SAGEConv with aggr='mean': out = lin_l(mean_{j in N(i)} x_j) + lin_r(x_i)
    msgs = jnp.take(x, src, axis=0)
    agg = jax.ops.segment_sum(msgs, dst, num_segments=N)
    deg = jax.ops.segment_sum(jnp.ones((src.shape[0],), dtype=x.dtype), dst, num_segments=N)
    agg = agg / jnp.maximum(deg, 1.0)[:, None]
    return agg @ Wl.T + bl + x @ Wr.T


def reference(x, edge_index, Wl1, bl1, Wr1, Wl2, bl2, Wr2):
    src = edge_index[0]
    dst = edge_index[1]
    h = _sage_conv(x, src, dst, Wl1, bl1, Wr1)
    h = jax.nn.relu(h)  # dropout omitted (eval mode)
    out = _sage_conv(h, src, dst, Wl2, bl2, Wr2)
    return out

if __name__ == "__main__":
    import jax
    _d = setup_inputs()
    print(jax.jit(kernel)(*tuple(_d.values())))

</pallas_src>

<mosaic_0001>
#map = affine_map<(d0, d1) -> (0, 0)>
#map1 = affine_map<(d0, d1) -> (0, 0, 0)>
module attributes {stable_mosaic.version = 14 : i64} {
  func.func @body(%arg0: i32, %arg1: i32, %arg2: memref<10000x128xf32, #tpu.memory_space<hbm>>, %arg3: memref<16x160x128xi32, #tpu.memory_space<hbm>>, %arg4: memref<16x160x128xi32, #tpu.memory_space<hbm>>, %arg5: memref<640x64xf32, #tpu.memory_space<hbm>>, %arg6: memref<2x10240x64xf32, #tpu.memory_space<hbm>>, %arg7: memref<80x128xi32, #tpu.memory_space<vmem>>, %arg8: memref<80x128xi32, #tpu.memory_space<vmem>>, %arg9: memref<2x128x64xf32, #tpu.memory_space<vmem>>, %arg10: memref<10240x64xf32, #tpu.memory_space<vmem_shared>>, %arg11: memref<10000x64xf32, #tpu.memory_space<vmem_shared>>, %arg12: memref<!tpu.dma_semaphore, #tpu.memory_space<semaphore_mem>>, %arg13: memref<!tpu.dma_semaphore, #tpu.memory_space<semaphore_mem>>) attributes {dimension_semantics = [#tpu.dimension_semantics<core_parallel>, #tpu.dimension_semantics<subcore_parallel>], iteration_bounds = array<i64: 2, 16>, scalar_prefetch = 0 : i64, scratch_operands = 7 : i64, tpu.core_type = #tpu.core_type<sc_vector_subcore>, window_params = [{transform_indices = #map}, {transform_indices = #map1}, {transform_indices = #map1}, {transform_indices = #map}, {transform_indices = #map1}]} {
    %mul3A = arith.constant 640 : i32
    %mul3A_0 = arith.muli %arg1, %mul3A : i32
    %mul3A_1 = arith.constant 625 : i32
    %mul3A_2 = arith.muli %arg1, %mul3A_1 : i32
    %mul3A_3 = arith.constant 64 : i32
    %mul3A_4 = arith.muli %arg0, %mul3A_3 : i32
    %mul3A_5 = arith.constant 625 : i32
    %mul3A_6 = arith.muli %arg1, %mul3A_5 : i32
    "tpu.region"() ({
      %run_scoped3A = tpu.sem_alloc : memref<!tpu.dma_semaphore, #tpu.memory_space<semaphore_mem>>
      %dma_start3A_35 = arith.constant 0 : i32
      %dma_start3A_36 = tpu.memref_slice %arg11[%mul3A_6, %dma_start3A_35] : memref<10000x64xf32, #tpu.memory_space<vmem_shared>> -> memref<625x64xf32, #tpu.memory_space<vmem_shared>>
      %dma_start3A_37 = tpu.memref_slice %arg2[%mul3A_2, %mul3A_4] : memref<10000x128xf32, #tpu.memory_space<hbm>> -> memref<625x64xf32, #tpu.memory_space<hbm>>
      tpu.enqueue_dma source(%dma_start3A_37 : memref<625x64xf32, #tpu.memory_space<hbm>>) target(%dma_start3A_36 : memref<625x64xf32, #tpu.memory_space<vmem_shared>>) target_semaphore(%run_scoped3A : memref<!tpu.dma_semaphore, #tpu.memory_space<semaphore_mem>>)
      %dma_wait3A_38 = arith.constant 0 : i32
      %dma_wait3A_39 = tpu.memref_slice %arg11[%mul3A_6, %dma_wait3A_38] : memref<10000x64xf32, #tpu.memory_space<vmem_shared>> -> memref<625x64xf32, #tpu.memory_space<vmem_shared>>
      %dma_wait3A_40 = tpu.memref_slice %arg2[%mul3A_2, %mul3A_4] : memref<10000x128xf32, #tpu.memory_space<hbm>> -> memref<625x64xf32, #tpu.memory_space<hbm>>
      tpu.wait_dma2 semaphore(%run_scoped3A : memref<!tpu.dma_semaphore, #tpu.memory_space<semaphore_mem>>) src(%dma_wait3A_40 : memref<625x64xf32, #tpu.memory_space<hbm>>) dst(%dma_wait3A_39 : memref<625x64xf32, #tpu.memory_space<vmem_shared>>)
      tpu.yield
    }) : () -> ()
    "tpu.region"() ({
      %run_scoped3A = tpu.sem_alloc : memref<!tpu.dma_semaphore, #tpu.memory_space<semaphore_mem>>
      %dma_start3A_35 = arith.constant 0 : i32
      %dma_start3A_36 = tpu.memref_slice %arg10[%mul3A_0, %dma_start3A_35] : memref<10240x64xf32, #tpu.memory_space<vmem_shared>> -> memref<640x64xf32, #tpu.memory_space<vmem_shared>>
      tpu.enqueue_dma source(%arg5 : memref<640x64xf32, #tpu.memory_space<hbm>>) target(%dma_start3A_36 : memref<640x64xf32, #tpu.memory_space<vmem_shared>>) target_semaphore(%run_scoped3A : memref<!tpu.dma_semaphore, #tpu.memory_space<semaphore_mem>>)
      %dma_wait3A_37 = arith.constant 0 : i32
      %dma_wait3A_38 = tpu.memref_slice %arg10[%mul3A_0, %dma_wait3A_37] : memref<10240x64xf32, #tpu.memory_space<vmem_shared>> -> memref<640x64xf32, #tpu.memory_space<vmem_shared>>
      tpu.wait_dma2 semaphore(%run_scoped3A : memref<!tpu.dma_semaphore, #tpu.memory_space<semaphore_mem>>) src(%arg5 : memref<640x64xf32, #tpu.memory_space<hbm>>) dst(%dma_wait3A_38 : memref<640x64xf32, #tpu.memory_space<vmem_shared>>)
      tpu.yield
    }) : () -> ()
    "tpu.region"() ({
      %run_scoped3A = tpu.sem_alloc : memref<!tpu.dma_semaphore, #tpu.memory_space<semaphore_mem>>
      %dma_start3A_35 = arith.constant 0 : i32
      %dma_start3A_36 = arith.constant 0 : i32
      %dma_start3A_37 = tpu.memref_slice %arg3[%arg1, %dma_start3A_35, %dma_start3A_36] : memref<16x160x128xi32, #tpu.memory_space<hbm>> -> memref<1x80x128xi32, #tpu.memory_space<hbm>>
      %dma_start3A_38 = tpu.memref_squeeze %dma_start3A_37 : memref<1x80x128xi32, #tpu.memory_space<hbm>> -> memref<80x128xi32, #tpu.memory_space<hbm>>
      %dma_start3A_39 = arith.constant 0 : i32
      %dma_start3A_40 = arith.constant 0 : i32
      %dma_start3A_41 = tpu.memref_slice %arg3[%arg1, %dma_start3A_39, %dma_start3A_40] : memref<16x160x128xi32, #tpu.memory_space<hbm>> -> memref<1x80x128xi32, #tpu.memory_space<hbm>>
      %dma_start3A_42 = tpu.memref_squeeze %dma_start3A_41 : memref<1x80x128xi32, #tpu.memory_space<hbm>> -> memref<80x128xi32, #tpu.memory_space<hbm>>
      tpu.enqueue_dma source(%dma_start3A_42 : memref<80x128xi32, #tpu.memory_space<hbm>>) target(%arg7 : memref<80x128xi32, #tpu.memory_space<vmem>>) target_semaphore(%run_scoped3A : memref<!tpu.dma_semaphore, #tpu.memory_space<semaphore_mem>>)
      %dma_wait3A_43 = arith.constant 0 : i32
      %dma_wait3A_44 = arith.constant 0 : i32
      %dma_wait3A_45 = tpu.memref_slice %arg3[%arg1, %dma_wait3A_43, %dma_wait3A_44] : memref<16x160x128xi32, #tpu.memory_space<hbm>> -> memref<1x80x128xi32, #tpu.memory_space<hbm>>
      %dma_wait3A_46 = tpu.memref_squeeze %dma_wait3A_45 : memref<1x80x128xi32, #tpu.memory_space<hbm>> -> memref<80x128xi32, #tpu.memory_space<hbm>>
      %dma_wait3A_47 = arith.constant 0 : i32
      %dma_wait3A_48 = arith.constant 0 : i32
      %dma_wait3A_49 = tpu.memref_slice %arg3[%arg1, %dma_wait3A_47, %dma_wait3A_48] : memref<16x160x128xi32, #tpu.memory_space<hbm>> -> memref<1x80x128xi32, #tpu.memory_space<hbm>>
      %dma_wait3A_50 = tpu.memref_squeeze %dma_wait3A_49 : memref<1x80x128xi32, #tpu.memory_space<hbm>> -> memref<80x128xi32, #tpu.memory_space<hbm>>
      tpu.wait_dma2 semaphore(%run_scoped3A : memref<!tpu.dma_semaphore, #tpu.memory_space<semaphore_mem>>) src(%dma_wait3A_50 : memref<80x128xi32, #tpu.memory_space<hbm>>) dst(%arg7 : memref<80x128xi32, #tpu.memory_space<vmem>>)
      tpu.yield
    }) : () -> ()
    "tpu.region"() ({
      %run_scoped3A = tpu.sem_alloc : memref<!tpu.dma_semaphore, #tpu.memory_space<semaphore_mem>>
      %dma_start3A_35 = arith.constant 0 : i32
      %dma_start3A_36 = arith.constant 0 : i32
      %dma_start3A_37 = tpu.memref_slice %arg4[%arg1, %dma_start3A_35, %dma_start3A_36] : memref<16x160x128xi32, #tpu.memory_space<hbm>> -> memref<1x80x128xi32, #tpu.memory_space<hbm>>
      %dma_start3A_38 = tpu.memref_squeeze %dma_start3A_37 : memref<1x80x128xi32, #tpu.memory_space<hbm>> -> memref<80x128xi32, #tpu.memory_space<hbm>>
      %dma_start3A_39 = arith.constant 0 : i32
      %dma_start3A_40 = arith.constant 0 : i32
      %dma_start3A_41 = tpu.memref_slice %arg4[%arg1, %dma_start3A_39, %dma_start3A_40] : memref<16x160x128xi32, #tpu.memory_space<hbm>> -> memref<1x80x128xi32, #tpu.memory_space<hbm>>
      %dma_start3A_42 = tpu.memref_squeeze %dma_start3A_41 : memref<1x80x128xi32, #tpu.memory_space<hbm>> -> memref<80x128xi32, #tpu.memory_space<hbm>>
      tpu.enqueue_dma source(%dma_start3A_42 : memref<80x128xi32, #tpu.memory_space<hbm>>) target(%arg8 : memref<80x128xi32, #tpu.memory_space<vmem>>) target_semaphore(%run_scoped3A : memref<!tpu.dma_semaphore, #tpu.memory_space<semaphore_mem>>)
      %dma_wait3A_43 = arith.constant 0 : i32
      %dma_wait3A_44 = arith.constant 0 : i32
      %dma_wait3A_45 = tpu.memref_slice %arg4[%arg1, %dma_wait3A_43, %dma_wait3A_44] : memref<16x160x128xi32, #tpu.memory_space<hbm>> -> memref<1x80x128xi32, #tpu.memory_space<hbm>>
      %dma_wait3A_46 = tpu.memref_squeeze %dma_wait3A_45 : memref<1x80x128xi32, #tpu.memory_space<hbm>> -> memref<80x128xi32, #tpu.memory_space<hbm>>
      %dma_wait3A_47 = arith.constant 0 : i32
      %dma_wait3A_48 = arith.constant 0 : i32
      %dma_wait3A_49 = tpu.memref_slice %arg4[%arg1, %dma_wait3A_47, %dma_wait3A_48] : memref<16x160x128xi32, #tpu.memory_space<hbm>> -> memref<1x80x128xi32, #tpu.memory_space<hbm>>
      %dma_wait3A_50 = tpu.memref_squeeze %dma_wait3A_49 : memref<1x80x128xi32, #tpu.memory_space<hbm>> -> memref<80x128xi32, #tpu.memory_space<hbm>>
      tpu.wait_dma2 semaphore(%run_scoped3A : memref<!tpu.dma_semaphore, #tpu.memory_space<semaphore_mem>>) src(%dma_wait3A_50 : memref<80x128xi32, #tpu.memory_space<hbm>>) dst(%arg8 : memref<80x128xi32, #tpu.memory_space<vmem>>)
      tpu.yield
    }) : () -> ()
    %barrier3A = arith.constant 0 : index
    tpu.barrier barrier_id(%barrier3A)
    %dma_start3A = arith.constant 0 : i32
    %dma_start3A_7 = arith.constant 0 : i32
    %dma_start3A_8 = arith.constant 0 : i32
    %dma_start3A_9 = arith.constant 0 : i32
    %dma_start3A_10 = tpu.memref_slice %arg9[%dma_start3A_7, %dma_start3A_8, %dma_start3A_9] : memref<2x128x64xf32, #tpu.memory_space<vmem>> -> memref<1x128x64xf32, #tpu.memory_space<vmem>>
    %dma_start3A_11 = tpu.memref_squeeze %dma_start3A_10 : memref<1x128x64xf32, #tpu.memory_space<vmem>> -> memref<128x64xf32, #tpu.memory_space<vmem>>
    %dma_start3A_12 = arith.constant 0 : i32
    %dma_start3A_13 = tpu.memref_slice %arg7[%dma_start3A, %dma_start3A_12] : memref<80x128xi32, #tpu.memory_space<vmem>> -> memref<1x128xi32, #tpu.memory_space<vmem>>
    %dma_start3A_14 = tpu.memref_squeeze %dma_start3A_13 : memref<1x128xi32, #tpu.memory_space<vmem>> -> memref<128xi32, #tpu.memory_space<vmem>>
    %dma_start3A_15 = arith.constant 0 : i32
    %dma_start3A_16 = arith.constant 0 : i32
    %dma_start3A_17 = tpu.memref_slice %arg11[%dma_start3A_15, %dma_start3A_16] : memref<10000x64xf32, #tpu.memory_space<vmem_shared>> -> memref<10000x64xf32, #tpu.memory_space<vmem_shared>>
    tpu.enqueue_indirect_dma source(%dma_start3A_17 : memref<10000x64xf32, #tpu.memory_space<vmem_shared>>) target(%dma_start3A_11 : memref<128x64xf32, #tpu.memory_space<vmem>>) offsets(%dma_start3A_14 : memref<128xi32, #tpu.memory_space<vmem>>) semaphore(%arg12 : memref<!tpu.dma_semaphore, #tpu.memory_space<semaphore_mem>>)
    %scan3A = arith.constant 0 : i32
    %scan3A_18 = arith.constant 0 : i32
    %scan3A_19 = arith.constant 160 : i32
    %scan3A_20 = arith.addi %scan3A_18, %scan3A_19 : i32
    %scan3A_21 = arith.constant 1 : i32
    scf.for %scan3A_35 = %scan3A_18 to %scan3A_20 step %scan3A_21  : i32 {
      %and3A = arith.constant 1 : i32
      %and3A_36 = arith.andi %scan3A_35, %and3A : i32
      %dma_wait3A_37 = arith.constant 0 : i32
      %dma_wait3A_38 = arith.constant 0 : i32
      %dma_wait3A_39 = tpu.memref_slice %arg9[%and3A_36, %dma_wait3A_37, %dma_wait3A_38] : memref<2x128x64xf32, #tpu.memory_space<vmem>> -> memref<1x128x64xf32, #tpu.memory_space<vmem>>
      %dma_wait3A_40 = tpu.memref_squeeze %dma_wait3A_39 : memref<1x128x64xf32, #tpu.memory_space<vmem>> -> memref<128x64xf32, #tpu.memory_space<vmem>>
      %dma_wait3A_41 = arith.constant 0 : i32
      %dma_wait3A_42 = arith.constant 0 : i32
      %dma_wait3A_43 = tpu.memref_slice %arg2[%dma_wait3A_41, %dma_wait3A_42] : memref<10000x128xf32, #tpu.memory_space<hbm>> -> memref<128x64xf32, #tpu.memory_space<hbm>>
      %dma_wait3A_44 = arith.constant 0 : i32
      %dma_wait3A_45 = arith.constant 0 : i32
      %dma_wait3A_46 = tpu.memref_slice %arg9[%and3A_36, %dma_wait3A_44, %dma_wait3A_45] : memref<2x128x64xf32, #tpu.memory_space<vmem>> -> memref<1x128x64xf32, #tpu.memory_space<vmem>>
      %dma_wait3A_47 = tpu.memref_squeeze %dma_wait3A_46 : memref<1x128x64xf32, #tpu.memory_space<vmem>> -> memref<128x64xf32, #tpu.memory_space<vmem>>
      %dma_wait3A_48 = arith.constant 0 : i32
      %dma_wait3A_49 = arith.constant 0 : i32
      %dma_wait3A_50 = tpu.memref_slice %arg2[%dma_wait3A_48, %dma_wait3A_49] : memref<10000x128xf32, #tpu.memory_space<hbm>> -> memref<128x64xf32, #tpu.memory_space<hbm>>
      tpu.wait_dma2 semaphore(%arg12 : memref<!tpu.dma_semaphore, #tpu.memory_space<semaphore_mem>>) src(%dma_wait3A_50 : memref<128x64xf32, #tpu.memory_space<hbm>>) dst(%dma_wait3A_47 : memref<128x64xf32, #tpu.memory_space<vmem>>)
      %gt3A = arith.constant 0 : i32
      %gt3A_51 = arith.cmpi sgt, %scan3A_35, %gt3A : i32
      %convert_element_type3A = arith.extui %gt3A_51 : i1 to i32
      %cond3A = arith.constant 0 : i32
      %cond3A_52 = arith.cmpi ne, %convert_element_type3A, %cond3A : i32
      scf.if %cond3A_52 {
        %sub3A = arith.constant 1 : i32
        %sub3A_87 = arith.subi %sub3A, %and3A_36 : i32
        %sub3A_88 = arith.constant 1 : i32
        %sub3A_89 = arith.subi %scan3A_35, %sub3A_88 : i32
        %jit3A_90 = arith.constant 80 : i32
        %eq3A_91 = arith.constant 0 : i32
        %eq3A_92 = arith.cmpi eq, %jit3A_90, %eq3A_91 : i32
        %jit3A_93 = arith.constant 1 : i32
        %select_n3A_94 = arith.select %eq3A_92, %jit3A_93, %jit3A_90 : i32
        %rem3A_95 = arith.remsi %sub3A_89, %select_n3A_94 : i32
        %ne3A_96 = arith.constant 0 : i32
        %ne3A_97 = arith.cmpi ne, %rem3A_95, %ne3A_96 : i32
        %lt3A_98 = arith.constant 0 : i32
        %lt3A_99 = arith.cmpi slt, %rem3A_95, %lt3A_98 : i32
        %lt3A_100 = arith.constant 0 : i32
        %lt3A_101 = arith.cmpi slt, %select_n3A_94, %lt3A_100 : i32
        %ne3A_102 = arith.xori %lt3A_99, %lt3A_101 : i1
        %and3A_103 = arith.andi %ne3A_102, %ne3A_97 : i1
        %add3A_104 = arith.addi %rem3A_95, %select_n3A_94 : i32
        %select_n3A_105 = arith.select %and3A_103, %add3A_104, %rem3A_95 : i32
        %dma_wait3A_106 = arith.constant 0 : i32
        %dma_wait3A_107 = arith.constant 0 : i32
        %dma_wait3A_108 = tpu.memref_slice %arg9[%sub3A_87, %dma_wait3A_106, %dma_wait3A_107] : memref<2x128x64xf32, #tpu.memory_space<vmem>> -> memref<1x128x64xf32, #tpu.memory_space<vmem>>
        %dma_wait3A_109 = tpu.memref_squeeze %dma_wait3A_108 : memref<1x128x64xf32, #tpu.memory_space<vmem>> -> memref<128x64xf32, #tpu.memory_space<vmem>>
        %dma_wait3A_110 = arith.constant 0 : i32
        %dma_wait3A_111 = tpu.memref_slice %arg8[%select_n3A_105, %dma_wait3A_110] : memref<80x128xi32, #tpu.memory_space<vmem>> -> memref<1x128xi32, #tpu.memory_space<vmem>>
        %dma_wait3A_112 = tpu.memref_squeeze %dma_wait3A_111 : memref<1x128xi32, #tpu.memory_space<vmem>> -> memref<128xi32, #tpu.memory_space<vmem>>
        %dma_wait3A_113 = arith.constant 0 : i32
        %dma_wait3A_114 = arith.constant 0 : i32
        %dma_wait3A_115 = tpu.memref_slice %arg10[%dma_wait3A_113, %dma_wait3A_114] : memref<10240x64xf32, #tpu.memory_space<vmem_shared>> -> memref<10240x64xf32, #tpu.memory_space<vmem_shared>>
        tpu.wait_indirect_dma semaphore(%arg13 : memref<!tpu.dma_semaphore, #tpu.memory_space<semaphore_mem>>) src(%dma_wait3A_109 : memref<128x64xf32, #tpu.memory_space<vmem>>) dst(%dma_wait3A_115 : memref<10240x64xf32, #tpu.memory_space<vmem_shared>>)
      } else {
      }
      %eq3A = arith.constant 79 : i32
      %eq3A_53 = arith.cmpi eq, %scan3A_35, %eq3A : i32
      %convert_element_type3A_54 = arith.extui %eq3A_53 : i1 to i32
      %cond3A_55 = arith.constant 0 : i32
      %cond3A_56 = arith.cmpi ne, %convert_element_type3A_54, %cond3A_55 : i32
      scf.if %cond3A_56 {
        "tpu.region"() ({
          %run_scoped3A = tpu.sem_alloc : memref<!tpu.dma_semaphore, #tpu.memory_space<semaphore_mem>>
          %dma_start3A_87 = arith.constant 80 : i32
          %dma_start3A_88 = arith.constant 0 : i32
          %dma_start3A_89 = tpu.memref_slice %arg3[%arg1, %dma_start3A_87, %dma_start3A_88] : memref<16x160x128xi32, #tpu.memory_space<hbm>> -> memref<1x80x128xi32, #tpu.memory_space<hbm>>
          %dma_start3A_90 = tpu.memref_squeeze %dma_start3A_89 : memref<1x80x128xi32, #tpu.memory_space<hbm>> -> memref<80x128xi32, #tpu.memory_space<hbm>>
          %dma_start3A_91 = arith.constant 80 : i32
          %dma_start3A_92 = arith.constant 0 : i32
          %dma_start3A_93 = tpu.memref_slice %arg3[%arg1, %dma_start3A_91, %dma_start3A_92] : memref<16x160x128xi32, #tpu.memory_space<hbm>> -> memref<1x80x128xi32, #tpu.memory_space<hbm>>
          %dma_start3A_94 = tpu.memref_squeeze %dma_start3A_93 : memref<1x80x128xi32, #tpu.memory_space<hbm>> -> memref<80x128xi32, #tpu.memory_space<hbm>>
          tpu.enqueue_dma source(%dma_start3A_94 : memref<80x128xi32, #tpu.memory_space<hbm>>) target(%arg7 : memref<80x128xi32, #tpu.memory_space<vmem>>) target_semaphore(%run_scoped3A : memref<!tpu.dma_semaphore, #tpu.memory_space<semaphore_mem>>)
          %dma_wait3A_95 = arith.constant 80 : i32
          %dma_wait3A_96 = arith.constant 0 : i32
          %dma_wait3A_97 = tpu.memref_slice %arg3[%arg1, %dma_wait3A_95, %dma_wait3A_96] : memref<16x160x128xi32, #tpu.memory_space<hbm>> -> memref<1x80x128xi32, #tpu.memory_space<hbm>>
          %dma_wait3A_98 = tpu.memref_squeeze %dma_wait3A_97 : memref<1x80x128xi32, #tpu.memory_space<hbm>> -> memref<80x128xi32, #tpu.memory_space<hbm>>
          %dma_wait3A_99 = arith.constant 80 : i32
          %dma_wait3A_100 = arith.constant 0 : i32
          %dma_wait3A_101 = tpu.memref_slice %arg3[%arg1, %dma_wait3A_99, %dma_wait3A_100] : memref<16x160x128xi32, #tpu.memory_space<hbm>> -> memref<1x80x128xi32, #tpu.memory_space<hbm>>
          %dma_wait3A_102 = tpu.memref_squeeze %dma_wait3A_101 : memref<1x80x128xi32, #tpu.memory_space<hbm>> -> memref<80x128xi32, #tpu.memory_space<hbm>>
          tpu.wait_dma2 semaphore(%run_scoped3A : memref<!tpu.dma_semaphore, #tpu.memory_space<semaphore_mem>>) src(%dma_wait3A_102 : memref<80x128xi32, #tpu.memory_space<hbm>>) dst(%arg7 : memref<80x128xi32, #tpu.memory_space<vmem>>)
          tpu.yield
        }) : () -> ()
      } else {
      }
      %eq3A_57 = arith.constant 80 : i32
      %eq3A_58 = arith.cmpi eq, %scan3A_35, %eq3A_57 : i32
      %convert_element_type3A_59 = arith.extui %eq3A_58 : i1 to i32
      %cond3A_60 = arith.constant 0 : i32
      %cond3A_61 = arith.cmpi ne, %convert_element_type3A_59, %cond3A_60 : i32
      scf.if %cond3A_61 {
        "tpu.region"() ({
          %run_scoped3A = tpu.sem_alloc : memref<!tpu.dma_semaphore, #tpu.memory_space<semaphore_mem>>
          %dma_start3A_87 = arith.constant 80 : i32
          %dma_start3A_88 = arith.constant 0 : i32
          %dma_start3A_89 = tpu.memref_slice %arg4[%arg1, %dma_start3A_87, %dma_start3A_88] : memref<16x160x128xi32, #tpu.memory_space<hbm>> -> memref<1x80x128xi32, #tpu.memory_space<hbm>>
          %dma_start3A_90 = tpu.memref_squeeze %dma_start3A_89 : memref<1x80x128xi32, #tpu.memory_space<hbm>> -> memref<80x128xi32, #tpu.memory_space<hbm>>
          %dma_start3A_91 = arith.constant 80 : i32
          %dma_start3A_92 = arith.constant 0 : i32
          %dma_start3A_93 = tpu.memref_slice %arg4[%arg1, %dma_start3A_91, %dma_start3A_92] : memref<16x160x128xi32, #tpu.memory_space<hbm>> -> memref<1x80x128xi32, #tpu.memory_space<hbm>>
          %dma_start3A_94 = tpu.memref_squeeze %dma_start3A_93 : memref<1x80x128xi32, #tpu.memory_space<hbm>> -> memref<80x128xi32, #tpu.memory_space<hbm>>
          tpu.enqueue_dma source(%dma_start3A_94 : memref<80x128xi32, #tpu.memory_space<hbm>>) target(%arg8 : memref<80x128xi32, #tpu.memory_space<vmem>>) target_semaphore(%run_scoped3A : memref<!tpu.dma_semaphore, #tpu.memory_space<semaphore_mem>>)
          %dma_wait3A_95 = arith.constant 80 : i32
          %dma_wait3A_96 = arith.constant 0 : i32
          %dma_wait3A_97 = tpu.memref_slice %arg4[%arg1, %dma_wait3A_95, %dma_wait3A_96] : memref<16x160x128xi32, #tpu.memory_space<hbm>> -> memref<1x80x128xi32, #tpu.memory_space<hbm>>
          %dma_wait3A_98 = tpu.memref_squeeze %dma_wait3A_97 : memref<1x80x128xi32, #tpu.memory_space<hbm>> -> memref<80x128xi32, #tpu.memory_space<hbm>>
          %dma_wait3A_99 = arith.constant 80 : i32
          %dma_wait3A_100 = arith.constant 0 : i32
          %dma_wait3A_101 = tpu.memref_slice %arg4[%arg1, %dma_wait3A_99, %dma_wait3A_100] : memref<16x160x128xi32, #tpu.memory_space<hbm>> -> memref<1x80x128xi32, #tpu.memory_space<hbm>>
          %dma_wait3A_102 = tpu.memref_squeeze %dma_wait3A_101 : memref<1x80x128xi32, #tpu.memory_space<hbm>> -> memref<80x128xi32, #tpu.memory_space<hbm>>
          tpu.wait_dma2 semaphore(%run_scoped3A : memref<!tpu.dma_semaphore, #tpu.memory_space<semaphore_mem>>) src(%dma_wait3A_102 : memref<80x128xi32, #tpu.memory_space<hbm>>) dst(%arg8 : memref<80x128xi32, #tpu.memory_space<vmem>>)
          tpu.yield
        }) : () -> ()
      } else {
      }
      %lt3A = arith.constant 159 : i32
      %lt3A_62 = arith.cmpi slt, %scan3A_35, %lt3A : i32
      %convert_element_type3A_63 = arith.extui %lt3A_62 : i1 to i32
      %cond3A_64 = arith.constant 0 : i32
      %cond3A_65 = arith.cmpi ne, %convert_element_type3A_63, %cond3A_64 : i32
      scf.if %cond3A_65 {
        %add3A_87 = arith.constant 1 : i32
        %add3A_88 = arith.addi %scan3A_35, %add3A_87 : i32
        %jit3A_89 = arith.constant 80 : i32
        %eq3A_90 = arith.constant 0 : i32
        %eq3A_91 = arith.cmpi eq, %jit3A_89, %eq3A_90 : i32
        %jit3A_92 = arith.constant 1 : i32
        %select_n3A_93 = arith.select %eq3A_91, %jit3A_92, %jit3A_89 : i32
        %rem3A_94 = arith.remsi %add3A_88, %select_n3A_93 : i32
        %ne3A_95 = arith.constant 0 : i32
        %ne3A_96 = arith.cmpi ne, %rem3A_94, %ne3A_95 : i32
        %lt3A_97 = arith.constant 0 : i32
        %lt3A_98 = arith.cmpi slt, %rem3A_94, %lt3A_97 : i32
        %lt3A_99 = arith.constant 0 : i32
        %lt3A_100 = arith.cmpi slt, %select_n3A_93, %lt3A_99 : i32
        %ne3A_101 = arith.xori %lt3A_98, %lt3A_100 : i1
        %and3A_102 = arith.andi %ne3A_101, %ne3A_96 : i1
        %add3A_103 = arith.addi %rem3A_94, %select_n3A_93 : i32
        %select_n3A_104 = arith.select %and3A_102, %add3A_103, %rem3A_94 : i32
        %sub3A = arith.constant 1 : i32
        %sub3A_105 = arith.subi %sub3A, %and3A_36 : i32
        %dma_start3A_106 = arith.constant 0 : i32
        %dma_start3A_107 = arith.constant 0 : i32
        %dma_start3A_108 = tpu.memref_slice %arg9[%sub3A_105, %dma_start3A_106, %dma_start3A_107] : memref<2x128x64xf32, #tpu.memory_space<vmem>> -> memref<1x128x64xf32, #tpu.memory_space<vmem>>
        %dma_start3A_109 = tpu.memref_squeeze %dma_start3A_108 : memref<1x128x64xf32, #tpu.memory_space<vmem>> -> memref<128x64xf32, #tpu.memory_space<vmem>>
        %dma_start3A_110 = arith.constant 0 : i32
        %dma_start3A_111 = tpu.memref_slice %arg7[%select_n3A_104, %dma_start3A_110] : memref<80x128xi32, #tpu.memory_space<vmem>> -> memref<1x128xi32, #tpu.memory_space<vmem>>
        %dma_start3A_112 = tpu.memref_squeeze %dma_start3A_111 : memref<1x128xi32, #tpu.memory_space<vmem>> -> memref<128xi32, #tpu.memory_space<vmem>>
        %dma_start3A_113 = arith.constant 0 : i32
        %dma_start3A_114 = arith.constant 0 : i32
        %dma_start3A_115 = tpu.memref_slice %arg11[%dma_start3A_113, %dma_start3A_114] : memref<10000x64xf32, #tpu.memory_space<vmem_shared>> -> memref<10000x64xf32, #tpu.memory_space<vmem_shared>>
        tpu.enqueue_indirect_dma source(%dma_start3A_115 : memref<10000x64xf32, #tpu.memory_space<vmem_shared>>) target(%dma_start3A_109 : memref<128x64xf32, #tpu.memory_space<vmem>>) offsets(%dma_start3A_112 : memref<128xi32, #tpu.memory_space<vmem>>) semaphore(%arg12 : memref<!tpu.dma_semaphore, #tpu.memory_space<semaphore_mem>>)
      } else {
      }
      %jit3A = arith.constant 80 : i32
      %eq3A_66 = arith.constant 0 : i32
      %eq3A_67 = arith.cmpi eq, %jit3A, %eq3A_66 : i32
      %jit3A_68 = arith.constant 1 : i32
      %select_n3A = arith.select %eq3A_67, %jit3A_68, %jit3A : i32
      %rem3A = arith.remsi %scan3A_35, %select_n3A : i32
      %ne3A = arith.constant 0 : i32
      %ne3A_69 = arith.cmpi ne, %rem3A, %ne3A : i32
      %lt3A_70 = arith.constant 0 : i32
      %lt3A_71 = arith.cmpi slt, %rem3A, %lt3A_70 : i32
      %lt3A_72 = arith.constant 0 : i32
      %lt3A_73 = arith.cmpi slt, %select_n3A, %lt3A_72 : i32
      %ne3A_74 = arith.xori %lt3A_71, %lt3A_73 : i1
      %and3A_75 = arith.andi %ne3A_74, %ne3A_69 : i1
      %add3A = arith.addi %rem3A, %select_n3A : i32
      %select_n3A_76 = arith.select %and3A_75, %add3A, %rem3A : i32
      %dma_start3A_77 = arith.constant 0 : i32
      %dma_start3A_78 = arith.constant 0 : i32
      %dma_start3A_79 = tpu.memref_slice %arg9[%and3A_36, %dma_start3A_77, %dma_start3A_78] : memref<2x128x64xf32, #tpu.memory_space<vmem>> -> memref<1x128x64xf32, #tpu.memory_space<vmem>>
      %dma_start3A_80 = tpu.memref_squeeze %dma_start3A_79 : memref<1x128x64xf32, #tpu.memory_space<vmem>> -> memref<128x64xf32, #tpu.memory_space<vmem>>
      %dma_start3A_81 = arith.constant 0 : i32
      %dma_start3A_82 = tpu.memref_slice %arg8[%select_n3A_76, %dma_start3A_81] : memref<80x128xi32, #tpu.memory_space<vmem>> -> memref<1x128xi32, #tpu.memory_space<vmem>>
      %dma_start3A_83 = tpu.memref_squeeze %dma_start3A_82 : memref<1x128xi32, #tpu.memory_space<vmem>> -> memref<128xi32, #tpu.memory_space<vmem>>
      %dma_start3A_84 = arith.constant 0 : i32
      %dma_start3A_85 = arith.constant 0 : i32
      %dma_start3A_86 = tpu.memref_slice %arg10[%dma_start3A_84, %dma_start3A_85] : memref<10240x64xf32, #tpu.memory_space<vmem_shared>> -> memref<10240x64xf32, #tpu.memory_space<vmem_shared>>
      tpu.enqueue_indirect_dma source(%dma_start3A_80 : memref<128x64xf32, #tpu.memory_space<vmem>>) target(%dma_start3A_86 : memref<10240x64xf32, #tpu.memory_space<vmem_shared>>) offsets(%dma_start3A_83 : memref<128xi32, #tpu.memory_space<vmem>>) semaphore(%arg13 : memref<!tpu.dma_semaphore, #tpu.memory_space<semaphore_mem>>) {add = true}
    }
    %scan3A_22 = arith.constant 160 : i32
    %dma_wait3A = arith.constant 1 : i32
    %dma_wait3A_23 = arith.constant 79 : i32
    %dma_wait3A_24 = arith.constant 0 : i32
    %dma_wait3A_25 = arith.constant 0 : i32
    %dma_wait3A_26 = tpu.memref_slice %arg9[%dma_wait3A, %dma_wait3A_24, %dma_wait3A_25] : memref<2x128x64xf32, #tpu.memory_space<vmem>> -> memref<1x128x64xf32, #tpu.memory_space<vmem>>
    %dma_wait3A_27 = tpu.memref_squeeze %dma_wait3A_26 : memref<1x128x64xf32, #tpu.memory_space<vmem>> -> memref<128x64xf32, #tpu.memory_space<vmem>>
    %dma_wait3A_28 = arith.constant 0 : i32
    %dma_wait3A_29 = tpu.memref_slice %arg8[%dma_wait3A_23, %dma_wait3A_28] : memref<80x128xi32, #tpu.memory_space<vmem>> -> memref<1x128xi32, #tpu.memory_space<vmem>>
    %dma_wait3A_30 = tpu.memref_squeeze %dma_wait3A_29 : memref<1x128xi32, #tpu.memory_space<vmem>> -> memref<128xi32, #tpu.memory_space<vmem>>
    %dma_wait3A_31 = arith.constant 0 : i32
    %dma_wait3A_32 = arith.constant 0 : i32
    %dma_wait3A_33 = tpu.memref_slice %arg10[%dma_wait3A_31, %dma_wait3A_32] : memref<10240x64xf32, #tpu.memory_space<vmem_shared>> -> memref<10240x64xf32, #tpu.memory_space<vmem_shared>>
    tpu.wait_indirect_dma semaphore(%arg13 : memref<!tpu.dma_semaphore, #tpu.memory_space<semaphore_mem>>) src(%dma_wait3A_27 : memref<128x64xf32, #tpu.memory_space<vmem>>) dst(%dma_wait3A_33 : memref<10240x64xf32, #tpu.memory_space<vmem_shared>>)
    %barrier3A_34 = arith.constant 0 : index
    tpu.barrier barrier_id(%barrier3A_34)
    "tpu.region"() ({
      %run_scoped3A = tpu.sem_alloc : memref<!tpu.dma_semaphore, #tpu.memory_space<semaphore_mem>>
      %dma_start3A_35 = arith.constant 0 : i32
      %dma_start3A_36 = tpu.memref_slice %arg6[%arg0, %mul3A_0, %dma_start3A_35] : memref<2x10240x64xf32, #tpu.memory_space<hbm>> -> memref<1x640x64xf32, #tpu.memory_space<hbm>>
      %dma_start3A_37 = tpu.memref_squeeze %dma_start3A_36 : memref<1x640x64xf32, #tpu.memory_space<hbm>> -> memref<640x64xf32, #tpu.memory_space<hbm>>
      %dma_start3A_38 = arith.constant 0 : i32
      %dma_start3A_39 = tpu.memref_slice %arg10[%mul3A_0, %dma_start3A_38] : memref<10240x64xf32, #tpu.memory_space<vmem_shared>> -> memref<640x64xf32, #tpu.memory_space<vmem_shared>>
      tpu.enqueue_dma source(%dma_start3A_39 : memref<640x64xf32, #tpu.memory_space<vmem_shared>>) target(%dma_start3A_37 : memref<640x64xf32, #tpu.memory_space<hbm>>) target_semaphore(%run_scoped3A : memref<!tpu.dma_semaphore, #tpu.memory_space<semaphore_mem>>)
      %dma_wait3A_40 = arith.constant 0 : i32
      %dma_wait3A_41 = tpu.memref_slice %arg6[%arg0, %mul3A_0, %dma_wait3A_40] : memref<2x10240x64xf32, #tpu.memory_space<hbm>> -> memref<1x640x64xf32, #tpu.memory_space<hbm>>
      %dma_wait3A_42 = tpu.memref_squeeze %dma_wait3A_41 : memref<1x640x64xf32, #tpu.memory_space<hbm>> -> memref<640x64xf32, #tpu.memory_space<hbm>>
      %dma_wait3A_43 = arith.constant 0 : i32
      %dma_wait3A_44 = tpu.memref_slice %arg10[%mul3A_0, %dma_wait3A_43] : memref<10240x64xf32, #tpu.memory_space<vmem_shared>> -> memref<640x64xf32, #tpu.memory_space<vmem_shared>>
      tpu.wait_dma2 semaphore(%run_scoped3A : memref<!tpu.dma_semaphore, #tpu.memory_space<semaphore_mem>>) src(%dma_wait3A_44 : memref<640x64xf32, #tpu.memory_space<vmem_shared>>) dst(%dma_wait3A_42 : memref<640x64xf32, #tpu.memory_space<hbm>>)
      tpu.yield
    }) : () -> ()
    return
  }
}

#map = affine_map<(d0, d1) -> (0, 0)>
#map1 = affine_map<(d0, d1) -> (0, 0, 0)>
module attributes {stable_mosaic.version = 14 : i64} {
  func.func @body(%arg0: i32, %arg1: i32, %arg2: memref<10000x128xf32, #tpu.memory_space<hbm>>, %arg3: memref<16x160x128xi32, #tpu.memory_space<hbm>>, %arg4: memref<16x160x128xi32, #tpu.memory_space<hbm>>, %arg5: memref<640x64xf32, #tpu.memory_space<hbm>>, %arg6: memref<2x10240x64xf32, #tpu.memory_space<hbm>>, %arg7: memref<80x128xi32, #tpu.memory_space<vmem>>, %arg8: memref<80x128xi32, #tpu.memory_space<vmem>>, %arg9: memref<2x128x64xf32, #tpu.memory_space<vmem>>, %arg10: memref<10240x64xf32, #tpu.memory_space<vmem_shared>>, %arg11: memref<10000x64xf32, #tpu.memory_space<vmem_shared>>, %arg12: memref<!tpu.dma_semaphore, #tpu.memory_space<semaphore_mem>>, %arg13: memref<!tpu.dma_semaphore, #tpu.memory_space<semaphore_mem>>) attributes {dimension_semantics = [#tpu.dimension_semantics<core_parallel>, #tpu.dimension_semantics<subcore_parallel>], iteration_bounds = array<i64: 2, 16>, scalar_prefetch = 0 : i64, scratch_operands = 7 : i64, tpu.core_type = #tpu.core_type<sc_vector_subcore>, window_params = [{transform_indices = #map}, {transform_indices = #map1}, {transform_indices = #map1}, {transform_indices = #map}, {transform_indices = #map1}]} {
    %mul3A = arith.constant 640 : i32
    %mul3A_0 = arith.muli %arg1, %mul3A : i32
    %mul3A_1 = arith.constant 625 : i32
    %mul3A_2 = arith.muli %arg1, %mul3A_1 : i32
    %mul3A_3 = arith.constant 64 : i32
    %mul3A_4 = arith.muli %arg0, %mul3A_3 : i32
    %mul3A_5 = arith.constant 625 : i32
    %mul3A_6 = arith.muli %arg1, %mul3A_5 : i32
    "tpu.region"() ({
      %run_scoped3A = tpu.sem_alloc : memref<!tpu.dma_semaphore, #tpu.memory_space<semaphore_mem>>
      %dma_start3A_35 = arith.constant 0 : i32
      %dma_start3A_36 = tpu.memref_slice %arg11[%mul3A_6, %dma_start3A_35] : memref<10000x64xf32, #tpu.memory_space<vmem_shared>> -> memref<625x64xf32, #tpu.memory_space<vmem_shared>>
      %dma_start3A_37 = tpu.memref_slice %arg2[%mul3A_2, %mul3A_4] : memref<10000x128xf32, #tpu.memory_space<hbm>> -> memref<625x64xf32, #tpu.memory_space<hbm>>
      tpu.enqueue_dma source(%dma_start3A_37 : memref<625x64xf32, #tpu.memory_space<hbm>>) target(%dma_start3A_36 : memref<625x64xf32, #tpu.memory_space<vmem_shared>>) target_semaphore(%run_scoped3A : memref<!tpu.dma_semaphore, #tpu.memory_space<semaphore_mem>>)
      %dma_wait3A_38 = arith.constant 0 : i32
      %dma_wait3A_39 = tpu.memref_slice %arg11[%mul3A_6, %dma_wait3A_38] : memref<10000x64xf32, #tpu.memory_space<vmem_shared>> -> memref<625x64xf32, #tpu.memory_space<vmem_shared>>
      %dma_wait3A_40 = tpu.memref_slice %arg2[%mul3A_2, %mul3A_4] : memref<10000x128xf32, #tpu.memory_space<hbm>> -> memref<625x64xf32, #tpu.memory_space<hbm>>
      tpu.wait_dma2 semaphore(%run_scoped3A : memref<!tpu.dma_semaphore, #tpu.memory_space<semaphore_mem>>) src(%dma_wait3A_40 : memref<625x64xf32, #tpu.memory_space<hbm>>) dst(%dma_wait3A_39 : memref<625x64xf32, #tpu.memory_space<vmem_shared>>)
      tpu.yield
    }) : () -> ()
    "tpu.region"() ({
      %run_scoped3A = tpu.sem_alloc : memref<!tpu.dma_semaphore, #tpu.memory_space<semaphore_mem>>
      %dma_start3A_35 = arith.constant 0 : i32
      %dma_start3A_36 = tpu.memref_slice %arg10[%mul3A_0, %dma_start3A_35] : memref<10240x64xf32, #tpu.memory_space<vmem_shared>> -> memref<640x64xf32, #tpu.memory_space<vmem_shared>>
      tpu.enqueue_dma source(%arg5 : memref<640x64xf32, #tpu.memory_space<hbm>>) target(%dma_start3A_36 : memref<640x64xf32, #tpu.memory_space<vmem_shared>>) target_semaphore(%run_scoped3A : memref<!tpu.dma_semaphore, #tpu.memory_space<semaphore_mem>>)
      %dma_wait3A_37 = arith.constant 0 : i32
      %dma_wait3A_38 = tpu.memref_slice %arg10[%mul3A_0, %dma_wait3A_37] : memref<10240x64xf32, #tpu.memory_space<vmem_shared>> -> memref<640x64xf32, #tpu.memory_space<vmem_shared>>
      tpu.wait_dma2 semaphore(%run_scoped3A : memref<!tpu.dma_semaphore, #tpu.memory_space<semaphore_mem>>) src(%arg5 : memref<640x64xf32, #tpu.memory_space<hbm>>) dst(%dma_wait3A_38 : memref<640x64xf32, #tpu.memory_space<vmem_shared>>)
      tpu.yield
    }) : () -> ()
    "tpu.region"() ({
      %run_scoped3A = tpu.sem_alloc : memref<!tpu.dma_semaphore, #tpu.memory_space<semaphore_mem>>
      %dma_start3A_35 = arith.constant 0 : i32
      %dma_start3A_36 = arith.constant 0 : i32
      %dma_start3A_37 = tpu.memref_slice %arg3[%arg1, %dma_start3A_35, %dma_start3A_36] : memref<16x160x128xi32, #tpu.memory_space<hbm>> -> memref<1x80x128xi32, #tpu.memory_space<hbm>>
      %dma_start3A_38 = tpu.memref_squeeze %dma_start3A_37 : memref<1x80x128xi32, #tpu.memory_space<hbm>> -> memref<80x128xi32, #tpu.memory_space<hbm>>
      %dma_start3A_39 = arith.constant 0 : i32
      %dma_start3A_40 = arith.constant 0 : i32
      %dma_start3A_41 = tpu.memref_slice %arg3[%arg1, %dma_start3A_39, %dma_start3A_40] : memref<16x160x128xi32, #tpu.memory_space<hbm>> -> memref<1x80x128xi32, #tpu.memory_space<hbm>>
      %dma_start3A_42 = tpu.memref_squeeze %dma_start3A_41 : memref<1x80x128xi32, #tpu.memory_space<hbm>> -> memref<80x128xi32, #tpu.memory_space<hbm>>
      tpu.enqueue_dma source(%dma_start3A_42 : memref<80x128xi32, #tpu.memory_space<hbm>>) target(%arg7 : memref<80x128xi32, #tpu.memory_space<vmem>>) target_semaphore(%run_scoped3A : memref<!tpu.dma_semaphore, #tpu.memory_space<semaphore_mem>>)
      %dma_wait3A_43 = arith.constant 0 : i32
      %dma_wait3A_44 = arith.constant 0 : i32
      %dma_wait3A_45 = tpu.memref_slice %arg3[%arg1, %dma_wait3A_43, %dma_wait3A_44] : memref<16x160x128xi32, #tpu.memory_space<hbm>> -> memref<1x80x128xi32, #tpu.memory_space<hbm>>
      %dma_wait3A_46 = tpu.memref_squeeze %dma_wait3A_45 : memref<1x80x128xi32, #tpu.memory_space<hbm>> -> memref<80x128xi32, #tpu.memory_space<hbm>>
      %dma_wait3A_47 = arith.constant 0 : i32
      %dma_wait3A_48 = arith.constant 0 : i32
      %dma_wait3A_49 = tpu.memref_slice %arg3[%arg1, %dma_wait3A_47, %dma_wait3A_48] : memref<16x160x128xi32, #tpu.memory_space<hbm>> -> memref<1x80x128xi32, #tpu.memory_space<hbm>>
      %dma_wait3A_50 = tpu.memref_squeeze %dma_wait3A_49 : memref<1x80x128xi32, #tpu.memory_space<hbm>> -> memref<80x128xi32, #tpu.memory_space<hbm>>
      tpu.wait_dma2 semaphore(%run_scoped3A : memref<!tpu.dma_semaphore, #tpu.memory_space<semaphore_mem>>) src(%dma_wait3A_50 : memref<80x128xi32, #tpu.memory_space<hbm>>) dst(%arg7 : memref<80x128xi32, #tpu.memory_space<vmem>>)
      tpu.yield
    }) : () -> ()
    "tpu.region"() ({
      %run_scoped3A = tpu.sem_alloc : memref<!tpu.dma_semaphore, #tpu.memory_space<semaphore_mem>>
      %dma_start3A_35 = arith.constant 0 : i32
      %dma_start3A_36 = arith.constant 0 : i32
      %dma_start3A_37 = tpu.memref_slice %arg4[%arg1, %dma_start3A_35, %dma_start3A_36] : memref<16x160x128xi32, #tpu.memory_space<hbm>> -> memref<1x80x128xi32, #tpu.memory_space<hbm>>
      %dma_start3A_38 = tpu.memref_squeeze %dma_start3A_37 : memref<1x80x128xi32, #tpu.memory_space<hbm>> -> memref<80x128xi32, #tpu.memory_space<hbm>>
      %dma_start3A_39 = arith.constant 0 : i32
      %dma_start3A_40 = arith.constant 0 : i32
      %dma_start3A_41 = tpu.memref_slice %arg4[%arg1, %dma_start3A_39, %dma_start3A_40] : memref<16x160x128xi32, #tpu.memory_space<hbm>> -> memref<1x80x128xi32, #tpu.memory_space<hbm>>
      %dma_start3A_42 = tpu.memref_squeeze %dma_start3A_41 : memref<1x80x128xi32, #tpu.memory_space<hbm>> -> memref<80x128xi32, #tpu.memory_space<hbm>>
      tpu.enqueue_dma source(%dma_start3A_42 : memref<80x128xi32, #tpu.memory_space<hbm>>) target(%arg8 : memref<80x128xi32, #tpu.memory_space<vmem>>) target_semaphore(%run_scoped3A : memref<!tpu.dma_semaphore, #tpu.memory_space<semaphore_mem>>)
      %dma_wait3A_43 = arith.constant 0 : i32
      %dma_wait3A_44 = arith.constant 0 : i32
      %dma_wait3A_45 = tpu.memref_slice %arg4[%arg1, %dma_wait3A_43, %dma_wait3A_44] : memref<16x160x128xi32, #tpu.memory_space<hbm>> -> memref<1x80x128xi32, #tpu.memory_space<hbm>>
      %dma_wait3A_46 = tpu.memref_squeeze %dma_wait3A_45 : memref<1x80x128xi32, #tpu.memory_space<hbm>> -> memref<80x128xi32, #tpu.memory_space<hbm>>
      %dma_wait3A_47 = arith.constant 0 : i32
      %dma_wait3A_48 = arith.constant 0 : i32
      %dma_wait3A_49 = tpu.memref_slice %arg4[%arg1, %dma_wait3A_47, %dma_wait3A_48] : memref<16x160x128xi32, #tpu.memory_space<hbm>> -> memref<1x80x128xi32, #tpu.memory_space<hbm>>
      %dma_wait3A_50 = tpu.memref_squeeze %dma_wait3A_49 : memref<1x80x128xi32, #tpu.memory_space<hbm>> -> memref<80x128xi32, #tpu.memory_space<hbm>>
      tpu.wait_dma2 semaphore(%run_scoped3A : memref<!tpu.dma_semaphore, #tpu.memory_space<semaphore_mem>>) src(%dma_wait3A_50 : memref<80x128xi32, #tpu.memory_space<hbm>>) dst(%arg8 : memref<80x128xi32, #tpu.memory_space<vmem>>)
      tpu.yield
    }) : () -> ()
    %barrier3A = arith.constant 0 : index
    tpu.barrier barrier_id(%barrier3A)
    %dma_start3A = arith.constant 0 : i32
    %dma_start3A_7 = arith.constant 0 : i32
    %dma_start3A_8 = arith.constant 0 : i32
    %dma_start3A_9 = arith.constant 0 : i32
    %dma_start3A_10 = tpu.memref_slice %arg9[%dma_start3A_7, %dma_start3A_8, %dma_start3A_9] : memref<2x128x64xf32, #tpu.memory_space<vmem>> -> memref<1x128x64xf32, #tpu.memory_space<vmem>>
    %dma_start3A_11 = tpu.memref_squeeze %dma_start3A_10 : memref<1x128x64xf32, #tpu.memory_space<vmem>> -> memref<128x64xf32, #tpu.memory_space<vmem>>
    %dma_start3A_12 = arith.constant 0 : i32
    %dma_start3A_13 = tpu.memref_slice %arg7[%dma_start3A, %dma_start3A_12] : memref<80x128xi32, #tpu.memory_space<vmem>> -> memref<1x128xi32, #tpu.memory_space<vmem>>
    %dma_start3A_14 = tpu.memref_squeeze %dma_start3A_13 : memref<1x128xi32, #tpu.memory_space<vmem>> -> memref<128xi32, #tpu.memory_space<vmem>>
    %dma_start3A_15 = arith.constant 0 : i32
    %dma_start3A_16 = arith.constant 0 : i32
    %dma_start3A_17 = tpu.memref_slice %arg11[%dma_start3A_15, %dma_start3A_16] : memref<10000x64xf32, #tpu.memory_space<vmem_shared>> -> memref<10000x64xf32, #tpu.memory_space<vmem_shared>>
    tpu.enqueue_indirect_dma source(%dma_start3A_17 : memref<10000x64xf32, #tpu.memory_space<vmem_shared>>) target(%dma_start3A_11 : memref<128x64xf32, #tpu.memory_space<vmem>>) offsets(%dma_start3A_14 : memref<128xi32, #tpu.memory_space<vmem>>) semaphore(%arg12 : memref<!tpu.dma_semaphore, #tpu.memory_space<semaphore_mem>>)
    %scan3A = arith.constant 0 : i32
    %scan3A_18 = arith.constant 0 : i32
    %scan3A_19 = arith.constant 160 : i32
    %scan3A_20 = arith.addi %scan3A_18, %scan3A_19 : i32
    %scan3A_21 = arith.constant 1 : i32
    scf.for %scan3A_35 = %scan3A_18 to %scan3A_20 step %scan3A_21  : i32 {
      %and3A = arith.constant 1 : i32
      %and3A_36 = arith.andi %scan3A_35, %and3A : i32
      %dma_wait3A_37 = arith.constant 0 : i32
      %dma_wait3A_38 = arith.constant 0 : i32
      %dma_wait3A_39 = tpu.memref_slice %arg9[%and3A_36, %dma_wait3A_37, %dma_wait3A_38] : memref<2x128x64xf32, #tpu.memory_space<vmem>> -> memref<1x128x64xf32, #tpu.memory_space<vmem>>
      %dma_wait3A_40 = tpu.memref_squeeze %dma_wait3A_39 : memref<1x128x64xf32, #tpu.memory_space<vmem>> -> memref<128x64xf32, #tpu.memory_space<vmem>>
      %dma_wait3A_41 = arith.constant 0 : i32
      %dma_wait3A_42 = arith.constant 0 : i32
      %dma_wait3A_43 = tpu.memref_slice %arg2[%dma_wait3A_41, %dma_wait3A_42] : memref<10000x128xf32, #tpu.memory_space<hbm>> -> memref<128x64xf32, #tpu.memory_space<hbm>>
      %dma_wait3A_44 = arith.constant 0 : i32
      %dma_wait3A_45 = arith.constant 0 : i32
      %dma_wait3A_46 = tpu.memref_slice %arg9[%and3A_36, %dma_wait3A_44, %dma_wait3A_45] : memref<2x128x64xf32, #tpu.memory_space<vmem>> -> memref<1x128x64xf32, #tpu.memory_space<vmem>>
      %dma_wait3A_47 = tpu.memref_squeeze %dma_wait3A_46 : memref<1x128x64xf32, #tpu.memory_space<vmem>> -> memref<128x64xf32, #tpu.memory_space<vmem>>
      %dma_wait3A_48 = arith.constant 0 : i32
      %dma_wait3A_49 = arith.constant 0 : i32
      %dma_wait3A_50 = tpu.memref_slice %arg2[%dma_wait3A_48, %dma_wait3A_49] : memref<10000x128xf32, #tpu.memory_space<hbm>> -> memref<128x64xf32, #tpu.memory_space<hbm>>
      tpu.wait_dma2 semaphore(%arg12 : memref<!tpu.dma_semaphore, #tpu.memory_space<semaphore_mem>>) src(%dma_wait3A_50 : memref<128x64xf32, #tpu.memory_space<hbm>>) dst(%dma_wait3A_47 : memref<128x64xf32, #tpu.memory_space<vmem>>)
      %gt3A = arith.constant 0 : i32
      %gt3A_51 = arith.cmpi sgt, %scan3A_35, %gt3A : i32
      %convert_element_type3A = arith.extui %gt3A_51 : i1 to i32
      %cond3A = arith.constant 0 : i32
      %cond3A_52 = arith.cmpi ne, %convert_element_type3A, %cond3A : i32
      scf.if %cond3A_52 {
        %sub3A = arith.constant 1 : i32
        %sub3A_87 = arith.subi %sub3A, %and3A_36 : i32
        %sub3A_88 = arith.constant 1 : i32
        %sub3A_89 = arith.subi %scan3A_35, %sub3A_88 : i32
        %jit3A_90 = arith.constant 80 : i32
        %eq3A_91 = arith.constant 0 : i32
        %eq3A_92 = arith.cmpi eq, %jit3A_90, %eq3A_91 : i32
        %jit3A_93 = arith.constant 1 : i32
        %select_n3A_94 = arith.select %eq3A_92, %jit3A_93, %jit3A_90 : i32
        %rem3A_95 = arith.remsi %sub3A_89, %select_n3A_94 : i32
        %ne3A_96 = arith.constant 0 : i32
        %ne3A_97 = arith.cmpi ne, %rem3A_95, %ne3A_96 : i32
        %lt3A_98 = arith.constant 0 : i32
        %lt3A_99 = arith.cmpi slt, %rem3A_95, %lt3A_98 : i32
        %lt3A_100 = arith.constant 0 : i32
        %lt3A_101 = arith.cmpi slt, %select_n3A_94, %lt3A_100 : i32
        %ne3A_102 = arith.xori %lt3A_99, %lt3A_101 : i1
        %and3A_103 = arith.andi %ne3A_102, %ne3A_97 : i1
        %add3A_104 = arith.addi %rem3A_95, %select_n3A_94 : i32
        %select_n3A_105 = arith.select %and3A_103, %add3A_104, %rem3A_95 : i32
        %dma_wait3A_106 = arith.constant 0 : i32
        %dma_wait3A_107 = arith.constant 0 : i32
        %dma_wait3A_108 = tpu.memref_slice %arg9[%sub3A_87, %dma_wait3A_106, %dma_wait3A_107] : memref<2x128x64xf32, #tpu.memory_space<vmem>> -> memref<1x128x64xf32, #tpu.memory_space<vmem>>
        %dma_wait3A_109 = tpu.memref_squeeze %dma_wait3A_108 : memref<1x128x64xf32, #tpu.memory_space<vmem>> -> memref<128x64xf32, #tpu.memory_space<vmem>>
        %dma_wait3A_110 = arith.constant 0 : i32
        %dma_wait3A_111 = tpu.memref_slice %arg8[%select_n3A_105, %dma_wait3A_110] : memref<80x128xi32, #tpu.memory_space<vmem>> -> memref<1x128xi32, #tpu.memory_space<vmem>>
        %dma_wait3A_112 = tpu.memref_squeeze %dma_wait3A_111 : memref<1x128xi32, #tpu.memory_space<vmem>> -> memref<128xi32, #tpu.memory_space<vmem>>
        %dma_wait3A_113 = arith.constant 0 : i32
        %dma_wait3A_114 = arith.constant 0 : i32
        %dma_wait3A_115 = tpu.memref_slice %arg10[%dma_wait3A_113, %dma_wait3A_114] : memref<10240x64xf32, #tpu.memory_space<vmem_shared>> -> memref<10240x64xf32, #tpu.memory_space<vmem_shared>>
        tpu.wait_indirect_dma semaphore(%arg13 : memref<!tpu.dma_semaphore, #tpu.memory_space<semaphore_mem>>) src(%dma_wait3A_109 : memref<128x64xf32, #tpu.memory_space<vmem>>) dst(%dma_wait3A_115 : memref<10240x64xf32, #tpu.memory_space<vmem_shared>>)
      } else {
      }
      %eq3A = arith.constant 79 : i32
      %eq3A_53 = arith.cmpi eq, %scan3A_35, %eq3A : i32
      %convert_element_type3A_54 = arith.extui %eq3A_53 : i1 to i32
      %cond3A_55 = arith.constant 0 : i32
      %cond3A_56 = arith.cmpi ne, %convert_element_type3A_54, %cond3A_55 : i32
      scf.if %cond3A_56 {
        "tpu.region"() ({
          %run_scoped3A = tpu.sem_alloc : memref<!tpu.dma_semaphore, #tpu.memory_space<semaphore_mem>>
          %dma_start3A_87 = arith.constant 80 : i32
          %dma_start3A_88 = arith.constant 0 : i32
          %dma_start3A_89 = tpu.memref_slice %arg3[%arg1, %dma_start3A_87, %dma_start3A_88] : memref<16x160x128xi32, #tpu.memory_space<hbm>> -> memref<1x80x128xi32, #tpu.memory_space<hbm>>
          %dma_start3A_90 = tpu.memref_squeeze %dma_start3A_89 : memref<1x80x128xi32, #tpu.memory_space<hbm>> -> memref<80x128xi32, #tpu.memory_space<hbm>>
          %dma_start3A_91 = arith.constant 80 : i32
          %dma_start3A_92 = arith.constant 0 : i32
          %dma_start3A_93 = tpu.memref_slice %arg3[%arg1, %dma_start3A_91, %dma_start3A_92] : memref<16x160x128xi32, #tpu.memory_space<hbm>> -> memref<1x80x128xi32, #tpu.memory_space<hbm>>
          %dma_start3A_94 = tpu.memref_squeeze %dma_start3A_93 : memref<1x80x128xi32, #tpu.memory_space<hbm>> -> memref<80x128xi32, #tpu.memory_space<hbm>>
          tpu.enqueue_dma source(%dma_start3A_94 : memref<80x128xi32, #tpu.memory_space<hbm>>) target(%arg7 : memref<80x128xi32, #tpu.memory_space<vmem>>) target_semaphore(%run_scoped3A : memref<!tpu.dma_semaphore, #tpu.memory_space<semaphore_mem>>)
          %dma_wait3A_95 = arith.constant 80 : i32
          %dma_wait3A_96 = arith.constant 0 : i32
          %dma_wait3A_97 = tpu.memref_slice %arg3[%arg1, %dma_wait3A_95, %dma_wait3A_96] : memref<16x160x128xi32, #tpu.memory_space<hbm>> -> memref<1x80x128xi32, #tpu.memory_space<hbm>>
          %dma_wait3A_98 = tpu.memref_squeeze %dma_wait3A_97 : memref<1x80x128xi32, #tpu.memory_space<hbm>> -> memref<80x128xi32, #tpu.memory_space<hbm>>
          %dma_wait3A_99 = arith.constant 80 : i32
          %dma_wait3A_100 = arith.constant 0 : i32
          %dma_wait3A_101 = tpu.memref_slice %arg3[%arg1, %dma_wait3A_99, %dma_wait3A_100] : memref<16x160x128xi32, #tpu.memory_space<hbm>> -> memref<1x80x128xi32, #tpu.memory_space<hbm>>
          %dma_wait3A_102 = tpu.memref_squeeze %dma_wait3A_101 : memref<1x80x128xi32, #tpu.memory_space<hbm>> -> memref<80x128xi32, #tpu.memory_space<hbm>>
          tpu.wait_dma2 semaphore(%run_scoped3A : memref<!tpu.dma_semaphore, #tpu.memory_space<semaphore_mem>>) src(%dma_wait3A_102 : memref<80x128xi32, #tpu.memory_space<hbm>>) dst(%arg7 : memref<80x128xi32, #tpu.memory_space<vmem>>)
          tpu.yield
        }) : () -> ()
      } else {
      }
      %eq3A_57 = arith.constant 80 : i32
      %eq3A_58 = arith.cmpi eq, %scan3A_35, %eq3A_57 : i32
      %convert_element_type3A_59 = arith.extui %eq3A_58 : i1 to i32
      %cond3A_60 = arith.constant 0 : i32
      %cond3A_61 = arith.cmpi ne, %convert_element_type3A_59, %cond3A_60 : i32
      scf.if %cond3A_61 {
        "tpu.region"() ({
          %run_scoped3A = tpu.sem_alloc : memref<!tpu.dma_semaphore, #tpu.memory_space<semaphore_mem>>
          %dma_start3A_87 = arith.constant 80 : i32
          %dma_start3A_88 = arith.constant 0 : i32
          %dma_start3A_89 = tpu.memref_slice %arg4[%arg1, %dma_start3A_87, %dma_start3A_88] : memref<16x160x128xi32, #tpu.memory_space<hbm>> -> memref<1x80x128xi32, #tpu.memory_space<hbm>>
          %dma_start3A_90 = tpu.memref_squeeze %dma_start3A_89 : memref<1x80x128xi32, #tpu.memory_space<hbm>> -> memref<80x128xi32, #tpu.memory_space<hbm>>
          %dma_start3A_91 = arith.constant 80 : i32
          %dma_start3A_92 = arith.constant 0 : i32
          %dma_start3A_93 = tpu.memref_slice %arg4[%arg1, %dma_start3A_91, %dma_start3A_92] : memref<16x160x128xi32, #tpu.memory_space<hbm>> -> memref<1x80x128xi32, #tpu.memory_space<hbm>>
          %dma_start3A_94 = tpu.memref_squeeze %dma_start3A_93 : memref<1x80x128xi32, #tpu.memory_space<hbm>> -> memref<80x128xi32, #tpu.memory_space<hbm>>
          tpu.enqueue_dma source(%dma_start3A_94 : memref<80x128xi32, #tpu.memory_space<hbm>>) target(%arg8 : memref<80x128xi32, #tpu.memory_space<vmem>>) target_semaphore(%run_scoped3A : memref<!tpu.dma_semaphore, #tpu.memory_space<semaphore_mem>>)
          %dma_wait3A_95 = arith.constant 80 : i32
          %dma_wait3A_96 = arith.constant 0 : i32
          %dma_wait3A_97 = tpu.memref_slice %arg4[%arg1, %dma_wait3A_95, %dma_wait3A_96] : memref<16x160x128xi32, #tpu.memory_space<hbm>> -> memref<1x80x128xi32, #tpu.memory_space<hbm>>
          %dma_wait3A_98 = tpu.memref_squeeze %dma_wait3A_97 : memref<1x80x128xi32, #tpu.memory_space<hbm>> -> memref<80x128xi32, #tpu.memory_space<hbm>>
          %dma_wait3A_99 = arith.constant 80 : i32
          %dma_wait3A_100 = arith.constant 0 : i32
          %dma_wait3A_101 = tpu.memref_slice %arg4[%arg1, %dma_wait3A_99, %dma_wait3A_100] : memref<16x160x128xi32, #tpu.memory_space<hbm>> -> memref<1x80x128xi32, #tpu.memory_space<hbm>>
          %dma_wait3A_102 = tpu.memref_squeeze %dma_wait3A_101 : memref<1x80x128xi32, #tpu.memory_space<hbm>> -> memref<80x128xi32, #tpu.memory_space<hbm>>
          tpu.wait_dma2 semaphore(%run_scoped3A : memref<!tpu.dma_semaphore, #tpu.memory_space<semaphore_mem>>) src(%dma_wait3A_102 : memref<80x128xi32, #tpu.memory_space<hbm>>) dst(%arg8 : memref<80x128xi32, #tpu.memory_space<vmem>>)
          tpu.yield
        }) : () -> ()
      } else {
      }
      %lt3A = arith.constant 159 : i32
      %lt3A_62 = arith.cmpi slt, %scan3A_35, %lt3A : i32
      %convert_element_type3A_63 = arith.extui %lt3A_62 : i1 to i32
      %cond3A_64 = arith.constant 0 : i32
      %cond3A_65 = arith.cmpi ne, %convert_element_type3A_63, %cond3A_64 : i32
      scf.if %cond3A_65 {
        %add3A_87 = arith.constant 1 : i32
        %add3A_88 = arith.addi %scan3A_35, %add3A_87 : i32
        %jit3A_89 = arith.constant 80 : i32
        %eq3A_90 = arith.constant 0 : i32
        %eq3A_91 = arith.cmpi eq, %jit3A_89, %eq3A_90 : i32
        %jit3A_92 = arith.constant 1 : i32
        %select_n3A_93 = arith.select %eq3A_91, %jit3A_92, %jit3A_89 : i32
        %rem3A_94 = arith.remsi %add3A_88, %select_n3A_93 : i32
        %ne3A_95 = arith.constant 0 : i32
        %ne3A_96 = arith.cmpi ne, %rem3A_94, %ne3A_95 : i32
        %lt3A_97 = arith.constant 0 : i32
        %lt3A_98 = arith.cmpi slt, %rem3A_94, %lt3A_97 : i32
        %lt3A_99 = arith.constant 0 : i32
        %lt3A_100 = arith.cmpi slt, %select_n3A_93, %lt3A_99 : i32
        %ne3A_101 = arith.xori %lt3A_98, %lt3A_100 : i1
        %and3A_102 = arith.andi %ne3A_101, %ne3A_96 : i1
        %add3A_103 = arith.addi %rem3A_94, %select_n3A_93 : i32
        %select_n3A_104 = arith.select %and3A_102, %add3A_103, %rem3A_94 : i32
        %sub3A = arith.constant 1 : i32
        %sub3A_105 = arith.subi %sub3A, %and3A_36 : i32
        %dma_start3A_106 = arith.constant 0 : i32
        %dma_start3A_107 = arith.constant 0 : i32
        %dma_start3A_108 = tpu.memref_slice %arg9[%sub3A_105, %dma_start3A_106, %dma_start3A_107] : memref<2x128x64xf32, #tpu.memory_space<vmem>> -> memref<1x128x64xf32, #tpu.memory_space<vmem>>
        %dma_start3A_109 = tpu.memref_squeeze %dma_start3A_108 : memref<1x128x64xf32, #tpu.memory_space<vmem>> -> memref<128x64xf32, #tpu.memory_space<vmem>>
        %dma_start3A_110 = arith.constant 0 : i32
        %dma_start3A_111 = tpu.memref_slice %arg7[%select_n3A_104, %dma_start3A_110] : memref<80x128xi32, #tpu.memory_space<vmem>> -> memref<1x128xi32, #tpu.memory_space<vmem>>
        %dma_start3A_112 = tpu.memref_squeeze %dma_start3A_111 : memref<1x128xi32, #tpu.memory_space<vmem>> -> memref<128xi32, #tpu.memory_space<vmem>>
        %dma_start3A_113 = arith.constant 0 : i32
        %dma_start3A_114 = arith.constant 0 : i32
        %dma_start3A_115 = tpu.memref_slice %arg11[%dma_start3A_113, %dma_start3A_114] : memref<10000x64xf32, #tpu.memory_space<vmem_shared>> -> memref<10000x64xf32, #tpu.memory_space<vmem_shared>>
        tpu.enqueue_indirect_dma source(%dma_start3A_115 : memref<10000x64xf32, #tpu.memory_space<vmem_shared>>) target(%dma_start3A_109 : memref<128x64xf32, #tpu.memory_space<vmem>>) offsets(%dma_start3A_112 : memref<128xi32, #tpu.memory_space<vmem>>) semaphore(%arg12 : memref<!tpu.dma_semaphore, #tpu.memory_space<semaphore_mem>>)
      } else {
      }
      %jit3A = arith.constant 80 : i32
      %eq3A_66 = arith.constant 0 : i32
      %eq3A_67 = arith.cmpi eq, %jit3A, %eq3A_66 : i32
      %jit3A_68 = arith.constant 1 : i32
      %select_n3A = arith.select %eq3A_67, %jit3A_68, %jit3A : i32
      %rem3A = arith.remsi %scan3A_35, %select_n3A : i32
      %ne3A = arith.constant 0 : i32
      %ne3A_69 = arith.cmpi ne, %rem3A, %ne3A : i32
      %lt3A_70 = arith.constant 0 : i32
      %lt3A_71 = arith.cmpi slt, %rem3A, %lt3A_70 : i32
      %lt3A_72 = arith.constant 0 : i32
      %lt3A_73 = arith.cmpi slt, %select_n3A, %lt3A_72 : i32
      %ne3A_74 = arith.xori %lt3A_71, %lt3A_73 : i1
      %and3A_75 = arith.andi %ne3A_74, %ne3A_69 : i1
      %add3A = arith.addi %rem3A, %select_n3A : i32
      %select_n3A_76 = arith.select %and3A_75, %add3A, %rem3A : i32
      %dma_start3A_77 = arith.constant 0 : i32
      %dma_start3A_78 = arith.constant 0 : i32
      %dma_start3A_79 = tpu.memref_slice %arg9[%and3A_36, %dma_start3A_77, %dma_start3A_78] : memref<2x128x64xf32, #tpu.memory_space<vmem>> -> memref<1x128x64xf32, #tpu.memory_space<vmem>>
      %dma_start3A_80 = tpu.memref_squeeze %dma_start3A_79 : memref<1x128x64xf32, #tpu.memory_space<vmem>> -> memref<128x64xf32, #tpu.memory_space<vmem>>
      %dma_start3A_81 = arith.constant 0 : i32
      %dma_start3A_82 = tpu.memref_slice %arg8[%select_n3A_76, %dma_start3A_81] : memref<80x128xi32, #tpu.memory_space<vmem>> -> memref<1x128xi32, #tpu.memory_space<vmem>>
      %dma_start3A_83 = tpu.memref_squeeze %dma_start3A_82 : memref<1x128xi32, #tpu.memory_space<vmem>> -> memref<128xi32, #tpu.memory_space<vmem>>
      %dma_start3A_84 = arith.constant 0 : i32
      %dma_start3A_85 = arith.constant 0 : i32
      %dma_start3A_86 = tpu.memref_slice %arg10[%dma_start3A_84, %dma_start3A_85] : memref<10240x64xf32, #tpu.memory_space<vmem_shared>> -> memref<10240x64xf32, #tpu.memory_space<vmem_shared>>
      tpu.enqueue_indirect_dma source(%dma_start3A_80 : memref<128x64xf32, #tpu.memory_space<vmem>>) target(%dma_start3A_86 : memref<10240x64xf32, #tpu.memory_space<vmem_shared>>) offsets(%dma_start3A_83 : memref<128xi32, #tpu.memory_space<vmem>>) semaphore(%arg13 : memref<!tpu.dma_semaphore, #tpu.memory_space<semaphore_mem>>) {add = true}
    }
    %scan3A_22 = arith.constant 160 : i32
    %dma_wait3A = arith.constant 1 : i32
    %dma_wait3A_23 = arith.constant 79 : i32
    %dma_wait3A_24 = arith.constant 0 : i32
    %dma_wait3A_25 = arith.constant 0 : i32
    %dma_wait3A_26 = tpu.memref_slice %arg9[%dma_wait3A, %dma_wait3A_24, %dma_wait3A_25] : memref<2x128x64xf32, #tpu.memory_space<vmem>> -> memref<1x128x64xf32, #tpu.memory_space<vmem>>
    %dma_wait3A_27 = tpu.memref_squeeze %dma_wait3A_26 : memref<1x128x64xf32, #tpu.memory_space<vmem>> -> memref<128x64xf32, #tpu.memory_space<vmem>>
    %dma_wait3A_28 = arith.constant 0 : i32
    %dma_wait3A_29 = tpu.memref_slice %arg8[%dma_wait3A_23, %dma_wait3A_28] : memref<80x128xi32, #tpu.memory_space<vmem>> -> memref<1x128xi32, #tpu.memory_space<vmem>>
    %dma_wait3A_30 = tpu.memref_squeeze %dma_wait3A_29 : memref<1x128xi32, #tpu.memory_space<vmem>> -> memref<128xi32, #tpu.memory_space<vmem>>
    %dma_wait3A_31 = arith.constant 0 : i32
    %dma_wait3A_32 = arith.constant 0 : i32
    %dma_wait3A_33 = tpu.memref_slice %arg10[%dma_wait3A_31, %dma_wait3A_32] : memref<10240x64xf32, #tpu.memory_space<vmem_shared>> -> memref<10240x64xf32, #tpu.memory_space<vmem_shared>>
    tpu.wait_indirect_dma semaphore(%arg13 : memref<!tpu.dma_semaphore, #tpu.memory_space<semaphore_mem>>) src(%dma_wait3A_27 : memref<128x64xf32, #tpu.memory_space<vmem>>) dst(%dma_wait3A_33 : memref<10240x64xf32, #tpu.memory_space<vmem_shared>>)
    %barrier3A_34 = arith.constant 0 : index
    tpu.barrier barrier_id(%barrier3A_34)
    "tpu.region"() ({
      %run_scoped3A = tpu.sem_alloc : memref<!tpu.dma_semaphore, #tpu.memory_space<semaphore_mem>>
      %dma_start3A_35 = arith.constant 0 : i32
      %dma_start3A_36 = tpu.memref_slice %arg6[%arg0, %mul3A_0, %dma_start3A_35] : memref<2x10240x64xf32, #tpu.memory_space<hbm>> -> memref<1x640x64xf32, #tpu.memory_space<hbm>>
      %dma_start3A_37 = tpu.memref_squeeze %dma_start3A_36 : memref<1x640x64xf32, #tpu.memory_space<hbm>> -> memref<640x64xf32, #tpu.memory_space<hbm>>
      %dma_start3A_38 = arith.constant 0 : i32
      %dma_start3A_39 = tpu.memref_slice %arg10[%mul3A_0, %dma_start3A_38] : memref<10240x64xf32, #tpu.memory_space<vmem_shared>> -> memref<640x64xf32, #tpu.memory_space<vmem_shared>>
      tpu.enqueue_dma source(%dma_start3A_39 : memref<640x64xf32, #tpu.memory_space<vmem_shared>>) target(%dma_start3A_37 : memref<640x64xf32, #tpu.memory_space<hbm>>) target_semaphore(%run_scoped3A : memref<!tpu.dma_semaphore, #tpu.memory_space<semaphore_mem>>)
      %dma_wait3A_40 = arith.constant 0 : i32
      %dma_wait3A_41 = tpu.memref_slice %arg6[%arg0, %mul3A_0, %dma_wait3A_40] : memref<2x10240x64xf32, #tpu.memory_space<hbm>> -> memref<1x640x64xf32, #tpu.memory_space<hbm>>
      %dma_wait3A_42 = tpu.memref_squeeze %dma_wait3A_41 : memref<1x640x64xf32, #tpu.memory_space<hbm>> -> memref<640x64xf32, #tpu.memory_space<hbm>>
      %dma_wait3A_43 = arith.constant 0 : i32
      %dma_wait3A_44 = tpu.memref_slice %arg10[%mul3A_0, %dma_wait3A_43] : memref<10240x64xf32, #tpu.memory_space<vmem_shared>> -> memref<640x64xf32, #tpu.memory_space<vmem_shared>>
      tpu.wait_dma2 semaphore(%run_scoped3A : memref<!tpu.dma_semaphore, #tpu.memory_space<semaphore_mem>>) src(%dma_wait3A_44 : memref<640x64xf32, #tpu.memory_space<vmem_shared>>) dst(%dma_wait3A_42 : memref<640x64xf32, #tpu.memory_space<hbm>>)
      tpu.yield
    }) : () -> ()
    return
  }
}

module attributes {stable_mosaic.version = 14 : i64} {
  func.func @_deg_body(%arg0: i32, %arg1: memref<1x1x12800xi32, #tpu.memory_space<vmem>>, %arg2: memref<80x128xf32, #tpu.memory_space<vmem>>) attributes {dimension_semantics = [#tpu.dimension_semantics<arbitrary>], iteration_bounds = array<i64: 25>, scalar_prefetch = 0 : i64, scratch_operands = 0 : i64, tpu.core_type = #tpu.core_type<tc>, window_params = [{transform_indices = @transform_0, window_bounds = array<i64: 1, 1, 12800>}, {pipeline_mode = #tpu.pipeline_mode<synchronous>, transform_indices = @transform_1, window_bounds = array<i64: 80, 128>}]} {
    %get3A = arith.constant 0 : index
    %get3A_0 = arith.constant 0 : index
    %get3A_1 = arith.constant 0 : index
    %get3A_2 = vector.load %arg1[%get3A, %get3A_0, %get3A_1] : memref<1x1x12800xi32, #tpu.memory_space<vmem>>, vector<1x1x12800xi32>
    %get3A_3 = vector.shape_cast %get3A_2 : vector<1x1x12800xi32> to vector<1x12800xi32>
    %shift_right_arithmetic3A = arith.constant 7 : i32
    %shift_right_arithmetic3A_4 = vector.broadcast %shift_right_arithmetic3A : i32 to vector<1x12800xi32>
    %shift_right_arithmetic3A_5 = arith.shrsi %get3A_3, %shift_right_arithmetic3A_4 : vector<1x12800xi32>
    %get3A_6 = arith.constant 0 : index
    %get3A_7 = arith.constant 0 : index
    %get3A_8 = arith.constant 0 : index
    %get3A_9 = vector.load %arg1[%get3A_6, %get3A_7, %get3A_8] : memref<1x1x12800xi32, #tpu.memory_space<vmem>>, vector<1x1x12800xi32>
    %get3A_10 = vector.shape_cast %get3A_9 : vector<1x1x12800xi32> to vector<1x12800xi32>
    %and3A = arith.constant 127 : i32
    %and3A_11 = vector.broadcast %and3A : i32 to vector<1x12800xi32>
    %and3A_12 = arith.andi %get3A_10, %and3A_11 : vector<1x12800xi32>
    %iota3A = tpu.iota {dimensions = array<i32: 0>} : vector<80x12800xi32>
    %iota3A_13 = tpu.iota {dimensions = array<i32: 0>} : vector<128x12800xi32>
    %eq3A = vector.broadcast %shift_right_arithmetic3A_5 : vector<1x12800xi32> to vector<80x12800xi32>
    %eq3A_14 = arith.cmpi eq, %eq3A, %iota3A : vector<80x12800xi32>
    %convert_element_type3A = arith.extui %eq3A_14 : vector<80x12800xi1> to vector<80x12800xi32>
    %convert_element_type3A_15 = arith.sitofp %convert_element_type3A : vector<80x12800xi32> to vector<80x12800xf32>
    %convert_element_type3A_16 = arith.truncf %convert_element_type3A_15 : vector<80x12800xf32> to vector<80x12800xbf16>
    %eq3A_17 = vector.broadcast %and3A_12 : vector<1x12800xi32> to vector<128x12800xi32>
    %eq3A_18 = arith.cmpi eq, %eq3A_17, %iota3A_13 : vector<128x12800xi32>
    %convert_element_type3A_19 = arith.extui %eq3A_18 : vector<128x12800xi1> to vector<128x12800xi32>
    %convert_element_type3A_20 = arith.sitofp %convert_element_type3A_19 : vector<128x12800xi32> to vector<128x12800xf32>
    %convert_element_type3A_21 = arith.truncf %convert_element_type3A_20 : vector<128x12800xf32> to vector<128x12800xbf16>
    %dot_general3A = arith.constant dense<0.000000e+00> : vector<80x128xf32>
    %dot_general3A_22 = tpu.matmul %convert_element_type3A_16, %convert_element_type3A_21, %dot_general3A {dimension_numbers = #tpu.dot_dimension_numbers<[1], [1], [0], [0], [0, 0, 1, 0], [], []>, transpose_lhs_hint = false} : vector<80x12800xbf16>, vector<128x12800xbf16>, vector<80x128xf32> -> vector<80x128xf32>
    %eq3A_23 = arith.constant 0 : i32
    %eq3A_24 = arith.cmpi eq, %arg0, %eq3A_23 : i32
    %convert_element_type3A_25 = arith.extui %eq3A_24 : i1 to i32
    %cond3A = arith.constant 0 : i32
    %cond3A_26 = arith.cmpi ne, %convert_element_type3A_25, %cond3A : i32
    scf.if %cond3A_26 {
      %broadcast_in_dim3A = arith.constant 0.000000e+00 : f32
      %broadcast_in_dim3A_32 = vector.broadcast %broadcast_in_dim3A : f32 to vector<80x128xf32>
      %swap3A_33 = arith.constant 0 : index
      %swap3A_34 = arith.constant 0 : index
      %swap3A_35 = vector.load %arg2[%swap3A_33, %swap3A_34] : memref<80x128xf32, #tpu.memory_space<vmem>>, vector<80x128xf32>
      tpu.vector_store %arg2[%swap3A_33, %swap3A_34], %broadcast_in_dim3A_32 {strides = array<i32>} : memref<80x128xf32, #tpu.memory_space<vmem>>, vector<80x128xf32>,
    } else {
    }
    %get3A_27 = arith.constant 0 : index
    %get3A_28 = arith.constant 0 : index
    %get3A_29 = vector.load %arg2[%get3A_27, %get3A_28] : memref<80x128xf32, #tpu.memory_space<vmem>>, vector<80x128xf32>
    %add3A = arith.addf %get3A_29, %dot_general3A_22 : vector<80x128xf32>
    %swap3A = arith.constant 0 : index
    %swap3A_30 = arith.constant 0 : index
    %swap3A_31 = vector.load %arg2[%swap3A, %swap3A_30] : memref<80x128xf32, #tpu.memory_space<vmem>>, vector<80x128xf32>
    tpu.vector_store %arg2[%swap3A, %swap3A_30], %add3A {strides = array<i32>} : memref<80x128xf32, #tpu.memory_space<vmem>>, vector<80x128xf32>,
    return
  }
  func.func @transform_0(%arg0: i32) -> (i32, i32, i32) {
    %c0_i32 = arith.constant 0 : i32
    %c0_i32_0 = arith.constant 0 : i32
    %c0_i32_1 = arith.constant 0 : i32
    return %arg0, %c0_i32, %c0_i32_0 : i32, i32, i32
  }
  func.func @transform_1(%arg0: i32) -> (i32, i32) {
    %c0_i32 = arith.constant 0 : i32
    %c0_i32_0 = arith.constant 0 : i32
    %c0_i32_1 = arith.constant 0 : i32
    return %c0_i32, %c0_i32_0 : i32, i32
  }
}

module attributes {stable_mosaic.version = 14 : i64} {
  func.func @body(%arg0: i32, %arg1: memref<1x1280x64xf32, #tpu.memory_space<vmem>>, %arg2: memref<1x1280x64xf32, #tpu.memory_space<vmem>>, %arg3: memref<1x10x128xf32, #tpu.memory_space<vmem>>, %arg4: memref<1280x128xf32, #tpu.memory_space<vmem>>, %arg5: memref<128x128xf32, #tpu.memory_space<vmem>>, %arg6: memref<1x128xf32, #tpu.memory_space<vmem>>, %arg7: memref<128x128xf32, #tpu.memory_space<vmem>>, %arg8: memref<1280x128xf32, #tpu.memory_space<vmem>>) attributes {dimension_semantics = [#tpu.dimension_semantics<arbitrary>], iteration_bounds = array<i64: 8>, scalar_prefetch = 0 : i64, scratch_operands = 0 : i64, tpu.core_type = #tpu.core_type<tc>, window_params = [{transform_indices = @transform_0, window_bounds = array<i64: 1, 1280, 64>}, {transform_indices = @transform_1, window_bounds = array<i64: 1, 1280, 64>}, {transform_indices = @transform_2, window_bounds = array<i64: 1, 10, 128>}, {transform_indices = @transform_3, window_bounds = array<i64: 1280, 128>}, {pipeline_mode = #tpu.pipeline_mode<synchronous>, transform_indices = @transform_4, window_bounds = array<i64: 128, 128>}, {pipeline_mode = #tpu.pipeline_mode<synchronous>, transform_indices = @transform_5, window_bounds = array<i64: 1, 128>}, {pipeline_mode = #tpu.pipeline_mode<synchronous>, transform_indices = @transform_6, window_bounds = array<i64: 128, 128>}, {transform_indices = @transform_7, window_bounds = array<i64: 1280, 128>}]} {
    %get3A = arith.constant 0 : index
    %get3A_0 = arith.constant 0 : index
    %get3A_1 = arith.constant 0 : index
    %get3A_2 = vector.load %arg1[%get3A, %get3A_0, %get3A_1] : memref<1x1280x64xf32, #tpu.memory_space<vmem>>, vector<1x1280x64xf32>
    %get3A_3 = vector.shape_cast %get3A_2 : vector<1x1280x64xf32> to vector<1280x64xf32>
    %get3A_4 = arith.constant 0 : index
    %get3A_5 = arith.constant 0 : index
    %get3A_6 = arith.constant 0 : index
    %get3A_7 = vector.load %arg2[%get3A_4, %get3A_5, %get3A_6] : memref<1x1280x64xf32, #tpu.memory_space<vmem>>, vector<1x1280x64xf32>
    %get3A_8 = vector.shape_cast %get3A_7 : vector<1x1280x64xf32> to vector<1280x64xf32>
    %concatenate3A = tpu.concatenate %get3A_3, %get3A_8 in 1 : vector<1280x64xf32>, vector<1280x64xf32> -> vector<1280x128xf32>
    %get3A_9 = arith.constant 0 : index
    %get3A_10 = arith.constant 0 : index
    %get3A_11 = arith.constant 0 : index
    %get3A_12 = vector.load %arg3[%get3A_9, %get3A_10, %get3A_11] : memref<1x10x128xf32, #tpu.memory_space<vmem>>, vector<1x10x128xf32>
    %get3A_13 = vector.shape_cast %get3A_12 : vector<1x10x128xf32> to vector<10x128xf32>
    %max3A = arith.constant 1.000000e+00 : f32
    %max3A_14 = vector.broadcast %max3A : f32 to vector<10x128xf32>
    %max3A_15 = arith.maximumf %get3A_13, %max3A_14 : vector<10x128xf32>
    %div3A = arith.constant 1.000000e+00 : f32
    %div3A_16 = vector.broadcast %div3A : f32 to vector<10x128xf32>
    %div3A_17 = arith.divf %div3A_16, %max3A_15 : vector<10x128xf32>
    %iota3A = tpu.iota {dimensions = array<i32: 1>} : vector<1x128x128xi32>
    %iota3A_18 = tpu.iota {dimensions = array<i32: 2>} : vector<1x128x128xi32>
    %eq3A = arith.cmpi eq, %iota3A, %iota3A_18 : vector<1x128x128xi32>
    %reshape3A = vector.shape_cast %div3A_17 : vector<10x128xf32> to vector<10x1x128xf32>
    %convert_element_type3A = arith.extui %eq3A : vector<1x128x128xi1> to vector<1x128x128xi32>
    %convert_element_type3A_19 = arith.sitofp %convert_element_type3A : vector<1x128x128xi32> to vector<1x128x128xf32>
    %mul3A = vector.broadcast %reshape3A : vector<10x1x128xf32> to vector<10x128x128xf32>
    %mul3A_20 = vector.broadcast %convert_element_type3A_19 : vector<1x128x128xf32> to vector<10x128x128xf32>
    %mul3A_21 = arith.mulf %mul3A, %mul3A_20 : vector<10x128x128xf32>
    %reshape3A_22 = vector.shape_cast %concatenate3A : vector<1280x128xf32> to vector<10x128x128xf32>
    %dot_general3A = arith.constant dense<0.000000e+00> : vector<10x128x128xf32>
    %dot_general3A_23 = tpu.matmul %mul3A_21, %reshape3A_22, %dot_general3A {dimension_numbers = #tpu.dot_dimension_numbers<[2], [1], [1], [2], [0, 0, 0, 1, 1, 2], [0], [0]>, transpose_lhs_hint = false} : vector<10x128x128xf32>, vector<10x128x128xf32>, vector<10x128x128xf32> -> vector<10x128x128xf32>
    %reshape3A_24 = vector.shape_cast %dot_general3A_23 : vector<10x128x128xf32> to vector<1280x128xf32>
    %get3A_25 = arith.constant 0 : index
    %get3A_26 = arith.constant 0 : index
    %get3A_27 = vector.load %arg5[%get3A_25, %get3A_26] : memref<128x128xf32, #tpu.memory_space<vmem>>, vector<128x128xf32>
    %dot_general3A_28 = arith.constant dense<0.000000e+00> : vector<1280x128xf32>
    %dot_general3A_29 = tpu.matmul %reshape3A_24, %get3A_27, %dot_general3A_28 {dimension_numbers = #tpu.dot_dimension_numbers<[1], [0], [0], [1], [0, 0, 1, 1], [], []>, transpose_lhs_hint = false} : vector<1280x128xf32>, vector<128x128xf32>, vector<1280x128xf32> -> vector<1280x128xf32>
    %get3A_30 = arith.constant 0 : index
    %get3A_31 = arith.constant 0 : index
    %get3A_32 = vector.load %arg6[%get3A_30, %get3A_31] : memref<1x128xf32, #tpu.memory_space<vmem>>, vector<1x128xf32>
    %get3A_33 = arith.constant 0 : index
    %get3A_34 = arith.constant 0 : index
    %get3A_35 = vector.load %arg4[%get3A_33, %get3A_34] : memref<1280x128xf32, #tpu.memory_space<vmem>>, vector<1280x128xf32>
    %get3A_36 = arith.constant 0 : index
    %get3A_37 = arith.constant 0 : index
    %get3A_38 = vector.load %arg7[%get3A_36, %get3A_37] : memref<128x128xf32, #tpu.memory_space<vmem>>, vector<128x128xf32>
    %dot_general3A_39 = arith.constant dense<0.000000e+00> : vector<1280x128xf32>
    %dot_general3A_40 = tpu.matmul %get3A_35, %get3A_38, %dot_general3A_39 {dimension_numbers = #tpu.dot_dimension_numbers<[1], [0], [0], [1], [0, 0, 1, 1], [], []>, transpose_lhs_hint = false} : vector<1280x128xf32>, vector<128x128xf32>, vector<1280x128xf32> -> vector<1280x128xf32>
    %add3A = vector.broadcast %get3A_32 : vector<1x128xf32> to vector<1280x128xf32>
    %add3A_41 = arith.addf %add3A, %dot_general3A_40 : vector<1280x128xf32>
    %add3A_42 = arith.addf %dot_general3A_29, %add3A_41 : vector<1280x128xf32>
    %max3A_43 = arith.constant 0.000000e+00 : f32
    %max3A_44 = vector.broadcast %max3A_43 : f32 to vector<1280x128xf32>
    %max3A_45 = arith.maximumf %add3A_42, %max3A_44 : vector<1280x128xf32>
    %swap3A = arith.constant 0 : index
    %swap3A_46 = arith.constant 0 : index
    %swap3A_47 = vector.load %arg8[%swap3A, %swap3A_46] : memref<1280x128xf32, #tpu.memory_space<vmem>>, vector<1280x128xf32>
    tpu.vector_store %arg8[%swap3A, %swap3A_46], %max3A_45 {strides = array<i32>} : memref<1280x128xf32, #tpu.memory_space<vmem>>, vector<1280x128xf32>,
    return
  }
  func.func @transform_0(%arg0: i32) -> (i32, i32, i32) {
    %c0_i32 = arith.constant 0 : i32
    %c0_i32_0 = arith.constant 0 : i32
    %c0_i32_1 = arith.constant 0 : i32
    return %c0_i32, %arg0, %c0_i32_0 : i32, i32, i32
  }
  func.func @transform_1(%arg0: i32) -> (i32, i32, i32) {
    %c1_i32 = arith.constant 1 : i32
    %c0_i32 = arith.constant 0 : i32
    %c0_i32_0 = arith.constant 0 : i32
    return %c1_i32, %arg0, %c0_i32 : i32, i32, i32
  }
  func.func @transform_2(%arg0: i32) -> (i32, i32, i32) {
    %c0_i32 = arith.constant 0 : i32
    %c0_i32_0 = arith.constant 0 : i32
    %c0_i32_1 = arith.constant 0 : i32
    return %arg0, %c0_i32, %c0_i32_0 : i32, i32, i32
  }
  func.func @transform_3(%arg0: i32) -> (i32, i32) {
    %c0_i32 = arith.constant 0 : i32
    %c0_i32_0 = arith.constant 0 : i32
    return %arg0, %c0_i32 : i32, i32
  }
  func.func @transform_4(%arg0: i32) -> (i32, i32) {
    %c0_i32 = arith.constant 0 : i32
    %c0_i32_0 = arith.constant 0 : i32
    %c0_i32_1 = arith.constant 0 : i32
    return %c0_i32, %c0_i32_0 : i32, i32
  }
  func.func @transform_5(%arg0: i32) -> (i32, i32) {
    %c0_i32 = arith.constant 0 : i32
    %c0_i32_0 = arith.constant 0 : i32
    %c0_i32_1 = arith.constant 0 : i32
    return %c0_i32, %c0_i32_0 : i32, i32
  }
  func.func @transform_6(%arg0: i32) -> (i32, i32) {
    %c0_i32 = arith.constant 0 : i32
    %c0_i32_0 = arith.constant 0 : i32
    %c0_i32_1 = arith.constant 0 : i32
    return %c0_i32, %c0_i32_0 : i32, i32
  }
  func.func @transform_7(%arg0: i32) -> (i32, i32) {
    %c0_i32 = arith.constant 0 : i32
    %c0_i32_0 = arith.constant 0 : i32
    return %arg0, %c0_i32 : i32, i32
  }
}

module attributes {stable_mosaic.version = 14 : i64} {
  func.func @body(%arg0: i32, %arg1: memref<1x1280x64xf32, #tpu.memory_space<vmem>>, %arg2: memref<1x1280x64xf32, #tpu.memory_space<vmem>>, %arg3: memref<1x10x128xf32, #tpu.memory_space<vmem>>, %arg4: memref<1280x128xf32, #tpu.memory_space<vmem>>, %arg5: memref<128x128xf32, #tpu.memory_space<vmem>>, %arg6: memref<1x128xf32, #tpu.memory_space<vmem>>, %arg7: memref<128x128xf32, #tpu.memory_space<vmem>>, %arg8: memref<1280x128xf32, #tpu.memory_space<vmem>>) attributes {dimension_semantics = [#tpu.dimension_semantics<arbitrary>], iteration_bounds = array<i64: 8>, scalar_prefetch = 0 : i64, scratch_operands = 0 : i64, tpu.core_type = #tpu.core_type<tc>, window_params = [{transform_indices = @transform_0, window_bounds = array<i64: 1, 1280, 64>}, {transform_indices = @transform_1, window_bounds = array<i64: 1, 1280, 64>}, {transform_indices = @transform_2, window_bounds = array<i64: 1, 10, 128>}, {transform_indices = @transform_3, window_bounds = array<i64: 1280, 128>}, {pipeline_mode = #tpu.pipeline_mode<synchronous>, transform_indices = @transform_4, window_bounds = array<i64: 128, 128>}, {pipeline_mode = #tpu.pipeline_mode<synchronous>, transform_indices = @transform_5, window_bounds = array<i64: 1, 128>}, {pipeline_mode = #tpu.pipeline_mode<synchronous>, transform_indices = @transform_6, window_bounds = array<i64: 128, 128>}, {transform_indices = @transform_7, window_bounds = array<i64: 1280, 128>}]} {
    %get3A = arith.constant 0 : index
    %get3A_0 = arith.constant 0 : index
    %get3A_1 = arith.constant 0 : index
    %get3A_2 = vector.load %arg1[%get3A, %get3A_0, %get3A_1] : memref<1x1280x64xf32, #tpu.memory_space<vmem>>, vector<1x1280x64xf32>
    %get3A_3 = vector.shape_cast %get3A_2 : vector<1x1280x64xf32> to vector<1280x64xf32>
    %get3A_4 = arith.constant 0 : index
    %get3A_5 = arith.constant 0 : index
    %get3A_6 = arith.constant 0 : index
    %get3A_7 = vector.load %arg2[%get3A_4, %get3A_5, %get3A_6] : memref<1x1280x64xf32, #tpu.memory_space<vmem>>, vector<1x1280x64xf32>
    %get3A_8 = vector.shape_cast %get3A_7 : vector<1x1280x64xf32> to vector<1280x64xf32>
    %concatenate3A = tpu.concatenate %get3A_3, %get3A_8 in 1 : vector<1280x64xf32>, vector<1280x64xf32> -> vector<1280x128xf32>
    %get3A_9 = arith.constant 0 : index
    %get3A_10 = arith.constant 0 : index
    %get3A_11 = arith.constant 0 : index
    %get3A_12 = vector.load %arg3[%get3A_9, %get3A_10, %get3A_11] : memref<1x10x128xf32, #tpu.memory_space<vmem>>, vector<1x10x128xf32>
    %get3A_13 = vector.shape_cast %get3A_12 : vector<1x10x128xf32> to vector<10x128xf32>
    %max3A = arith.constant 1.000000e+00 : f32
    %max3A_14 = vector.broadcast %max3A : f32 to vector<10x128xf32>
    %max3A_15 = arith.maximumf %get3A_13, %max3A_14 : vector<10x128xf32>
    %div3A = arith.constant 1.000000e+00 : f32
    %div3A_16 = vector.broadcast %div3A : f32 to vector<10x128xf32>
    %div3A_17 = arith.divf %div3A_16, %max3A_15 : vector<10x128xf32>
    %iota3A = tpu.iota {dimensions = array<i32: 1>} : vector<1x128x128xi32>
    %iota3A_18 = tpu.iota {dimensions = array<i32: 2>} : vector<1x128x128xi32>
    %eq3A = arith.cmpi eq, %iota3A, %iota3A_18 : vector<1x128x128xi32>
    %reshape3A = vector.shape_cast %div3A_17 : vector<10x128xf32> to vector<10x1x128xf32>
    %convert_element_type3A = arith.extui %eq3A : vector<1x128x128xi1> to vector<1x128x128xi32>
    %convert_element_type3A_19 = arith.sitofp %convert_element_type3A : vector<1x128x128xi32> to vector<1x128x128xf32>
    %mul3A = vector.broadcast %reshape3A : vector<10x1x128xf32> to vector<10x128x128xf32>
    %mul3A_20 = vector.broadcast %convert_element_type3A_19 : vector<1x128x128xf32> to vector<10x128x128xf32>
    %mul3A_21 = arith.mulf %mul3A, %mul3A_20 : vector<10x128x128xf32>
    %reshape3A_22 = vector.shape_cast %concatenate3A : vector<1280x128xf32> to vector<10x128x128xf32>
    %dot_general3A = arith.constant dense<0.000000e+00> : vector<10x128x128xf32>
    %dot_general3A_23 = tpu.matmul %mul3A_21, %reshape3A_22, %dot_general3A {dimension_numbers = #tpu.dot_dimension_numbers<[2], [1], [1], [2], [0, 0, 0, 1, 1, 2], [0], [0]>, transpose_lhs_hint = false} : vector<10x128x128xf32>, vector<10x128x128xf32>, vector<10x128x128xf32> -> vector<10x128x128xf32>
    %reshape3A_24 = vector.shape_cast %dot_general3A_23 : vector<10x128x128xf32> to vector<1280x128xf32>
    %get3A_25 = arith.constant 0 : index
    %get3A_26 = arith.constant 0 : index
    %get3A_27 = vector.load %arg5[%get3A_25, %get3A_26] : memref<128x128xf32, #tpu.memory_space<vmem>>, vector<128x128xf32>
    %dot_general3A_28 = arith.constant dense<0.000000e+00> : vector<1280x128xf32>
    %dot_general3A_29 = tpu.matmul %reshape3A_24, %get3A_27, %dot_general3A_28 {dimension_numbers = #tpu.dot_dimension_numbers<[1], [0], [0], [1], [0, 0, 1, 1], [], []>, transpose_lhs_hint = false} : vector<1280x128xf32>, vector<128x128xf32>, vector<1280x128xf32> -> vector<1280x128xf32>
    %get3A_30 = arith.constant 0 : index
    %get3A_31 = arith.constant 0 : index
    %get3A_32 = vector.load %arg6[%get3A_30, %get3A_31] : memref<1x128xf32, #tpu.memory_space<vmem>>, vector<1x128xf32>
    %get3A_33 = arith.constant 0 : index
    %get3A_34 = arith.constant 0 : index
    %get3A_35 = vector.load %arg4[%get3A_33, %get3A_34] : memref<1280x128xf32, #tpu.memory_space<vmem>>, vector<1280x128xf32>
    %get3A_36 = arith.constant 0 : index
    %get3A_37 = arith.constant 0 : index
    %get3A_38 = vector.load %arg7[%get3A_36, %get3A_37] : memref<128x128xf32, #tpu.memory_space<vmem>>, vector<128x128xf32>
    %dot_general3A_39 = arith.constant dense<0.000000e+00> : vector<1280x128xf32>
    %dot_general3A_40 = tpu.matmul %get3A_35, %get3A_38, %dot_general3A_39 {dimension_numbers = #tpu.dot_dimension_numbers<[1], [0], [0], [1], [0, 0, 1, 1], [], []>, transpose_lhs_hint = false} : vector<1280x128xf32>, vector<128x128xf32>, vector<1280x128xf32> -> vector<1280x128xf32>
    %add3A = vector.broadcast %get3A_32 : vector<1x128xf32> to vector<1280x128xf32>
    %add3A_41 = arith.addf %add3A, %dot_general3A_40 : vector<1280x128xf32>
    %add3A_42 = arith.addf %dot_general3A_29, %add3A_41 : vector<1280x128xf32>
    %swap3A = arith.constant 0 : index
    %swap3A_43 = arith.constant 0 : index
    %swap3A_44 = vector.load %arg8[%swap3A, %swap3A_43] : memref<1280x128xf32, #tpu.memory_space<vmem>>, vector<1280x128xf32>
    tpu.vector_store %arg8[%swap3A, %swap3A_43], %add3A_42 {strides = array<i32>} : memref<1280x128xf32, #tpu.memory_space<vmem>>, vector<1280x128xf32>,
    return
  }
  func.func @transform_0(%arg0: i32) -> (i32, i32, i32) {
    %c0_i32 = arith.constant 0 : i32
    %c0_i32_0 = arith.constant 0 : i32
    %c0_i32_1 = arith.constant 0 : i32
    return %c0_i32, %arg0, %c0_i32_0 : i32, i32, i32
  }
  func.func @transform_1(%arg0: i32) -> (i32, i32, i32) {
    %c1_i32 = arith.constant 1 : i32
    %c0_i32 = arith.constant 0 : i32
    %c0_i32_0 = arith.constant 0 : i32
    return %c1_i32, %arg0, %c0_i32 : i32, i32, i32
  }
  func.func @transform_2(%arg0: i32) -> (i32, i32, i32) {
    %c0_i32 = arith.constant 0 : i32
    %c0_i32_0 = arith.constant 0 : i32
    %c0_i32_1 = arith.constant 0 : i32
    return %arg0, %c0_i32, %c0_i32_0 : i32, i32, i32
  }
  func.func @transform_3(%arg0: i32) -> (i32, i32) {
    %c0_i32 = arith.constant 0 : i32
    %c0_i32_0 = arith.constant 0 : i32
    return %arg0, %c0_i32 : i32, i32
  }
  func.func @transform_4(%arg0: i32) -> (i32, i32) {
    %c0_i32 = arith.constant 0 : i32
    %c0_i32_0 = arith.constant 0 : i32
    %c0_i32_1 = arith.constant 0 : i32
    return %c0_i32, %c0_i32_0 : i32, i32
  }
  func.func @transform_5(%arg0: i32) -> (i32, i32) {
    %c0_i32 = arith.constant 0 : i32
    %c0_i32_0 = arith.constant 0 : i32
    %c0_i32_1 = arith.constant 0 : i32
    return %c0_i32, %c0_i32_0 : i32, i32
  }
  func.func @transform_6(%arg0: i32) -> (i32, i32) {
    %c0_i32 = arith.constant 0 : i32
    %c0_i32_0 = arith.constant 0 : i32
    %c0_i32_1 = arith.constant 0 : i32
    return %c0_i32, %c0_i32_0 : i32, i32
  }
  func.func @transform_7(%arg0: i32) -> (i32, i32) {
    %c0_i32 = arith.constant 0 : i32
    %c0_i32_0 = arith.constant 0 : i32
    return %arg0, %c0_i32 : i32, i32
  }
}

</mosaic_0001>

<sc_bundles>
// kernel: kernel.10.cloned.1.call-start
scs
__scs_entry_jumppad:
0x0: {  	(pc) =	sbr.rel $0x88, $3  }
0x1: {  	(tag) =	ssettag $0x0;
	lr =	simm.s32 $0x1  }
0x2: {  	[smem:$0x3F99] =	sst lr;
	_ =	strace $0xD0000000  }
0x3: {  	_ = 	snop  }
0x4: {  	_ = 	snop  }
0x5: {  	_ = 	snop  }
0x6: {  	_ = 	snop  }
0x7: {  	_ = 	snop  }
__scs_overlays_trampoline_lowered:
0x8: {  	[smem:$0x3FA8] =	sst s0  }
0x9: {  	[smem:$0x3FA9] =	sst s1  }
0xa: {  	[smem:$0x3FAA] =	sst s2  }
0xb: {  	[smem:$0x3FAB] =	sst s3  }
0xc: {  	[smem:$0x3FAC] =	sst s4  }
0xd: {  	[smem:$0x3FAD] =	sst s5  }
0xe: {  	[smem:$0x3FAE] =	sst s6  }
0xf: {  	[smem:$0x3FAF] =	sst s7  }
0x10: {  	[smem:$0x3FB0] =	sst s8  }
0x11: {  	[smem:$0x3FB1] =	sst s9;
	s0 =	simm.s32 @!p0 $0x0  }
0x12: {  	s1 =	sld [smem:$0x3F97];
	s0 =	simm.s32 @p0 $0x1  }
0x13: {  	[smem:$0x3FB2] =	sst s0;
	s0 =	simm.s32 @!p1 $0x0  }
0x14: {  	s2 =	sld [smem:$0x3F96];
	s0 =	simm.s32 @p1 $0x1  }
0x15: {  	[smem:$0x3FB3] =	sst s0;
	s0 =	simm.s32 @!p2 $0x0  }
0x16: {  	s3 =	sld [smem:$0x3FDB];
	s0 =	simm.s32 @p2 $0x1  }
0x17: {  	s4 =	simm.s32 $0x1BF5;
	[smem:$0x3FB5] =	sst s0  }
0x18: {  	s0 =	sld [smem:$0x3F98];
	_ =	swait.ge [sflag:s4], $0x0  }
0x19: {  	s7 =	sld [smem:$0x3F99]  }
0x1a: {  	s8 =	sadd.s32 $0xFFFFE003, lr  }
0x1b: {  	s9 =	sadd.s32 $0xFFFFFEF7, lr;
	s5 =	simm.s32 $0xFFFFFFFF;
	p2 =	slt.u32 s8, $0xFFFFF086  }
0x1c: {  	p1 =	slt.u32 s9, $0xF7A;
	s5 =	simm.s32 @!p2 $0x0  }
0x1d: {  	s5 =	simm.s32 @p1 $0x1;
	p0 =	seq.s32 s7, s2  }
0x1e: {  	s7 =	smul.u32 @!p0 $0xF7A, s2;
	p2 =	seq.s32 @!p0 s5, $0x0  }
0x1f: {  	s9 =	smul.u32 $0xF7A, s1;
	s8 =	simm.s32 @!p0 $0x1BF5;
	p2 =	por !p2, p0  }
0x20: {  	[sflag:s8] =	ssyncset.s32 @!p0 $0xFFFFF086;
	s6 =	sadd.s32 @!p0 s3, s7;
	s7 =	simm.s32 @!p0 $0x108  }
0x21: {  	s3 =	sadd.s32 s3, s9;
	s6 =	sadd.s32 @!p0 $0x88, s6;
	s7 =	simm.s32 @p2 $0x1082  }
0x22: {  	[simem:s7], [sflag:s8] =	dma.local @!p0 [hbm:s6], $0xF7A  }
0x23: {  	s9 =	sor.u32 $0xD0000000, s2;
	s6 =	simm.s32 $0x108;
	_ =	swait.ge @!p0 [sflag:s8], $0x0  }
0x24: {  	s3 =	sadd.s32 $0x88, s3;
	s6 =	simm.s32 @!p1 $0x1082;
	[sflag:s4] =	ssyncset.s32 $0xFFFFF086  }
0x25: {  	[simem:s6], [sflag:s4] =	dma.local [hbm:s3], $0xF7A  }
0x26: {  	[smem:$0x3F99] =	sst s1;
	(tag) =	ssettag s2;
	_ =	strace s9  }
0x27: {  	s1 =	sld [smem:$0x3FA9]  }
0x28: {  	s2 =	sld [smem:$0x3FAA]  }
0x29: {  	s4 =	sld [smem:$0x3FAC]  }
0x2a: {  	p0 =	seq.s32 s5, $0x0;
	s5 =	sld [smem:$0x3FAD]  }
0x2b: {  	s6 =	sld [smem:$0x3FAE]  }
0x2c: {  	s7 =	sld [smem:$0x3FAF]  }
0x2d: {  	s3 =	simm.s32 $0x108;
	s8 =	sld [smem:$0x3FB0]  }
0x2e: {  	s3 =	simm.s32 @!p0 $0x1082;
	s9 =	sld [smem:$0x3FB1]  }
0x2f: {  	lr =	sadd.s32 s0, s3;
	s0 =	sld [smem:$0x3FA8]  }
0x30: {  	s3 =	sld [smem:$0x3FAB]  }
0x31: {  	[smem:$0x3FB4] =	sst s10  }
0x32: {  	s10 =	sld [smem:$0x3FB2];
	_ =	sdelay $0x3  }
0x33: {  	p0 =	seq.s32 s10, $0x1;
	s10 =	sld [smem:$0x3FB4];
	_ =	sdelay $0x3  }
0x34: {  	[smem:$0x3FB4] =	sst s10  }
0x35: {  	s10 =	sld [smem:$0x3FB3];
	_ =	sdelay $0x3  }
0x36: {  	p1 =	seq.s32 s10, $0x1;
	s10 =	sld [smem:$0x3FB4];
	_ =	sdelay $0x3  }
0x37: {  	[smem:$0x3FB4] =	sst s10  }
0x38: {  	s10 =	sld [smem:$0x3FB5]  }
0x39: {  	_ = 	snop;
	(pc) =	sbr.ind lr, $3  }
0x3a: {  	_ = 	snop  }
0x3b: {  	_ = 	snop  }
0x3c: {  	p2 =	seq.s32 s10, $0x1;
	s10 =	sld [smem:$0x3FB4]  }
0x3d: {  	_ =	shalt  }
0x3e: {  	_ =	shalt  }
0x3f: {  	_ =	shalt  }
0x40: {  	_ =	shalt  }
0x41: {  	_ =	shalt  }
0x42: {  	_ =	shalt  }
0x43: {  	_ =	shalt  }
0x44: {  	_ =	shalt  }
0x45: {  	_ =	shalt  }
0x46: {  	_ =	shalt  }
0x47: {  	_ =	shalt  }
0x48: {  	_ =	shalt  }
0x49: {  	_ =	shalt  }
0x4a: {  	_ =	shalt  }
0x4b: {  	_ =	shalt  }
0x4c: {  	_ =	shalt  }
0x4d: {  	_ =	shalt  }
0x4e: {  	_ =	shalt  }
0x4f: {  	_ =	shalt  }
0x50: {  	_ =	shalt  }
0x51: {  	_ =	shalt  }
0x52: {  	_ =	shalt  }
0x53: {  	_ =	shalt  }
0x54: {  	_ =	shalt  }
0x55: {  	_ =	shalt  }
0x56: {  	_ =	shalt  }
0x57: {  	_ =	shalt  }
0x58: {  	_ =	shalt  }
0x59: {  	_ =	shalt  }
0x5a: {  	_ =	shalt  }
0x5b: {  	_ =	shalt  }
0x5c: {  	_ =	shalt  }
0x5d: {  	_ =	shalt  }
0x5e: {  	_ =	shalt  }
0x5f: {  	_ =	shalt  }
0x60: {  	_ =	shalt  }
0x61: {  	_ =	shalt  }
0x62: {  	_ =	shalt  }
0x63: {  	_ =	shalt  }
0x64: {  	_ =	shalt  }
0x65: {  	_ =	shalt  }
0x66: {  	_ =	shalt  }
0x67: {  	_ =	shalt  }
0x68: {  	_ =	shalt  }
0x69: {  	_ =	shalt  }
0x6a: {  	_ =	shalt  }
0x6b: {  	_ =	shalt  }
0x6c: {  	_ =	shalt  }
0x6d: {  	_ =	shalt  }
0x6e: {  	_ =	shalt  }
0x6f: {  	_ =	shalt  }
0x70: {  	_ =	shalt  }
0x71: {  	_ =	shalt  }
0x72: {  	_ =	shalt  }
0x73: {  	_ =	shalt  }
0x74: {  	_ =	shalt  }
0x75: {  	_ =	shalt  }
0x76: {  	_ =	shalt  }
0x77: {  	_ =	shalt  }
0x78: {  	_ =	shalt  }
0x79: {  	_ =	shalt  }
0x7a: {  	_ =	shalt  }
0x7b: {  	_ =	shalt  }
0x7c: {  	_ =	shalt  }
0x7d: {  	_ =	shalt  }
0x7e: {  	_ =	shalt  }
0x7f: {  	_ =	shalt  }
0x80: {  	_ =	shalt  }
0x81: {  	_ =	shalt  }
0x82: {  	_ =	shalt  }
0x83: {  	_ =	shalt  }
0x84: {  	_ =	shalt  }
0x85: {  	_ =	shalt  }
0x86: {  	_ =	shalt  }
0x87: {  	_ =	shalt  }
.Lfunc_end0:
.L_simem_size_0:
called_computation.1_lowered:
.L_overlay_start_0:
0x88: {  	s2 =	sld [smem:$0x3FD9]  }
0x89: {  	s3 =	sld [smem:$0x3FFE];
	_ =	sdelay $0x1  }
0x8a: {  	s1 =	srdreg.scid  }
0x8b: {  	s0 =	sand.u32 $0x1, s1  }
0x8c: {  	s17 =	sshll.u32 s0, $0xA;
	s2 =	sadd.s32 s3, s2  }
0x8d: {  	s2 =	sadd.s32 s2, s17  }
0x8e: {  	[smem:$0x3FC0] =	sst s2  }
0x8f: {  	_ = 	snop  }
0x90: {  	s2 =	sld [smem:$0x3FD0];
	(tm) =	ssettm $0x1  }
0x91: {  	s18 =	sld [smem:$0x3FFB];
	_ =	sdelay $0x3  }
0x92: {  	_ =	strace s18  }
0x93: {  	s3 =	sld [smem:$0x3FFC];
	_ =	sdelay $0x3  }
0x94: {  	_ =	strace s3  }
0x95: {  	s3 =	sld [smem:$0x3FFD];
	_ =	sdelay $0x3  }
0x96: {  	_ =	strace s3  }
0x97: {  	_ =	strace $0x8FFFFFFF  }
0x98: {  	s19 =	sld [smem:$0x3FDB];
	_ =	sdelay $0x1  }
0x99: {  	s4 =	simm.s32 $_scs_section_size  }
0x9a: {  	s5 =	simm.s32 $_size__tile_overlayer_lowered;
	s6 =	simm.s32 $_tile_overlayer_lowered  }
0x9b: {  	s22 =	simm.s32 $0x1BFF;
	s21 =	sshll.u32 s6, $0x1;
	s3 =	sadd.s32 s4, s19  }
0x9c: {  	s7 =	simm.s32 $0x0;
	s20 =	sshll.u32 s5, $0x1;
	s5 =	sadd.s32 s21, s3  }
0x9d: {  	[timem:s7], [sflag:s22] =	dma.local [hbm:s5], s20  }
0x9e: {  	_ =	swait.ge [sflag:s22], s20  }
0x9f: {  	s4 =	ssub.s32 $0x0, s20;
	[sflag:s22] =	ssyncset.done $0x0  }
0xa0: {  	[sflag:s22] =	ssyncadd.s32 s4;
	_ =	sdelay $0x1  }
0xa1: {  	s23 =	simm.s32 $0x1B8B  }
0xa2: {  	_ =	swait.ge [sflag:s23], $0x1  }
0xa3: {  	[sflag:s23] =	ssyncset.done $0x0  }
0xa4: {  	s25 =	simm.s32 $0x1B8E;
	s24 =	sld [smem:$0x3FFE];
	[sflag:s23] =	ssyncadd.s32 $0xFFFFFFFF  }
0xa5: {  	s26 =	simm.s32 $execute0_lowered;
	[smem:$0x3FD2] =	sst s25  }
0xa6: {  	s5 =	sshll.u32 s26, $0x1;
	_ =	strace $0x80000049;
	[dreg:$0x1] =	wrdreg $0xFFFFFFFF  }
0xa7: {  	s28 =	simm.s32 $_size_execute0_lowered;
	s3 =	sadd.s32 s3, s5;
	[dreg:$0x0] =	wrdreg $0x0  }
0xa8: {  	s5 =	sshll.u32 s28, $0x1;
	[dreg:$0x2] =	wrdreg s3  }
0xa9: {  	[dreg:$0x3] =	wrdreg s5  }
0xaa: {  	[dreg:$0x4] =	wrdreg $0xC0  }
0xab: {  	_ =	task [dreg:s7], $0x5FFFF  }
0xac: {  	[dreg:$0x1] =	wrdreg $0xFFFFFFFF  }
0xad: {  	[dreg:$0x0] =	wrdreg $0x60  }
0xae: {  	[dreg:$0x2] =	wrdreg s2  }
0xaf: {  	[dreg:$0x3] =	wrdreg s24  }
0xb0: {  	[dreg:$0x4] =	wrdreg $0x130000  }
0xb1: {  	[dreg:$0x5] =	wrdreg $0x90000  }
0xb2: {  	[dreg:$0x6] =	wrdreg $0x9  }
0xb3: {  	_ =	task.clear_ibuf [dreg:s7], $0x7FFFF;
	_ =	strace $0x90000049  }
0xb4: {  	s29 =	simm.s32 $0x9;
	_ =	strace $0x8000004B  }
0xb5: {  	_ =	swait.ge [sflag:s29], $0x1  }
0xb6: {  	[sflag:s29] =	ssyncadd.s32 $0xFFFFFFFF  }
0xb7: {  	_ =	strace $0x9000004B  }
0xb8: {  	_ =	sfence  }
0xb9: {  	s30 =	sld [smem:$0x0];
	_ =	sdelay $0x2  }
0xba: {  	s31 =	sshll.u32 s1, $0xD;
	s1 =	sshrl.u32 s1, $0x2  }
0xbb: {  	s3 =	sand.u32 $0x4000, s31;
	s1 =	sadd.s32 s1, s30  }
0xbc: {  	s0 =	sor.u32 s3, s0;
	s1 =	sshll.u32 s1, $0x11  }
0xbd: {  	s0 =	sor.u32 s1, s0  }
0xbe: {  	s0 =	sadd.s32 $0x8F2B, s0  }
0xbf: {  	[sflag:s0] =	ssyncadd.remote.s32 $0x1  }
0xc0: {  	_ =	sfence.sel $0xFFFF  }
0xc1: {  	[dreg:$0x0] =	wrdreg $0xFFFFFFFF;
	(pc) =	sbr.abs _section_cstart, $3  }
0xc2: {  	[dreg:$0x1] =	wrdreg $0xFFFFFFFF  }
0xc3: {  	_ =	task.clear_ibuf [dreg:s7], $0x2FFFF;
	_ =	strace $0x9FFFFFFF  }
0xc4: {  	(tm) =	ssettm $0x7FFFFFFF  }
0xc5: {  	_ =	shalt  }
tec
execute0_lowered:
.L_overlay_start_1:
0x0: {  	(tag) =	ssettag $0x1  }
0x1: {  	s0 =	rddreg [dreg:$0x0]  }
0x2: {  	s2 =	rddreg [dreg:$0x1]  }
0x3: {  	s1 =	rddreg [dreg:$0x2]  }
0x4: {  	s3 =	rddreg [dreg:$0x3];
	s4 =	simm.s32 $0x0;
	s5 =	srdreg.scid  }
0x5: {  	s15 =	stileid.u32;
	s17 =	simm.s32 $0x3;
	s19 =	simm.s32 $0x2800  }
0x6: {  	s20 =	simm.s32 $0x80;
	s21 =	simm.s32 $0x5000;
	s22 =	simm.s32 $0x7000  }
0x7: {  	s23 =	simm.s32 $0x1;
	s24 =	simm.s32 $0x2;
	s8 =	smul.u32 $0xA000, s15  }
0x8: {  	[smem:$0x7FF] =	sst s4;
	s6 =	sand.u32 $0x1, s5;
	s12 =	smul.u32 $0x13880, s15  }
0x9: {  	s10 =	sadd.s32 $0x1E00, s2;
	s11 =	sadd.s32 $0xBE00, s2;
	s14 =	smul.u32 $0x27100, s15  }
0xa: {  	s5 =	sadd.s32 $0x15E00, s2;
	s28 =	smul.u32 $0x5000, s15;
	s29 =	sshll.u32 s15, $0x6  }
0xb: {  	s7 =	smul.u32 $0xA0000, s6;
	s9 =	ssub.s32 $0x2, s6;
	s6 =	sshll.u32 s6, $0x6  }
0xc: {  	_ =	strace $0x8000004A;
	s13 =	sshrl.u32 s9, $0x1;
	s6 =	sor.u32 s6, s12  }
0xd: {  	s26 =	sshrl.u32 s14, $0x2;
	s30 =	sshrl.u32 s28, $0x3;
	s18 =	sadd.s32 s8, s3  }
0xe: {  	s7 =	sadd.s32 s8, s7;
	s13 =	ssub.s32 s9, s13;
	s14 =	sadd.s32 s26, s1  }
0xf: {  	s6 =	sshrl.u32 s6, $0x3;
	s8 =	sadd.s32 s10, s30;
	s31 =	sadd.s32 $0x500, s30  }
0x10: {  	s9 =	sadd.s32 s11, s30;
	s18 =	sshrl.u32 s18, $0x3;
	s26 =	simm.s32 $0x0  }
0x11: {  	s7 =	sshrl.u32 s7, $0x3;
	s6 =	sadd.s32 s0, s6;
	s10 =	sadd.s32 s10, s31  }
0x12: {  	s11 =	sadd.s32 s11, s31;
	s13 =	smax.u32 s13, $0x1;
	s2 =	sadd.s32 s7, s2  }
0x13: {  	s14 =	sshrl.u32 s14, $0x3;
	s7 =	sor.u32 $0x1C03, s29;
	s12 =	sadd.s32 $0x17200, s2  }
.LBB2_1:
0x14: {  	s0 =	simm.s32 $0x8;
	s2 =	simm.s32 $0x10  }
0x15: {  	[spmem:s14@s0], [sflag:s7] =	dma.strided [hbm:s6@s2], $0x1388, s23, $0x8   }
0x16: {  	_ =	swait.ge [sflag:s17], $0x1388  }
0x17: {  	[sflag:s17] =	ssyncset.done $0x0  }
0x18: {  	[sflag:s17] =	ssyncadd.s32 $0xFFFFEC78  }
0x19: {  	[spmem:s18], [sflag:s7] =	dma.local [hbm:s5], $0x1400  }
0x1a: {  	_ =	swait.ge [sflag:s17], $0x1400  }
0x1b: {  	[sflag:s17] =	ssyncset.done $0x0  }
0x1c: {  	[sflag:s17] =	ssyncadd.s32 $0xFFFFEC00  }
0x1d: {  	[tilespmem:s4], [sflag:$0x3] =	stream.linear.gather [hbm4b:s8+s4], $0x2800, $0x38;
	[tilespmem:$0x1CC40] =	vst v63  }
0x1e: {  	_ =	swait.ge [sflag:s17], $0x2800  }
0x1f: {  	[sflag:s17] =	ssyncset.done $0x0  }
0x20: {  	[sflag:s17] =	ssyncadd.s32 $0xFFFFD800  }
0x21: {  	[tilespmem:s19], [sflag:$0x3] =	stream.linear.gather [hbm4b:s9+s4], $0x2800, $0x38;
	[tilespmem:$0x1CC40] =	vst v63  }
0x22: {  	_ =	swait.ge [sflag:s17], $0x2800  }
0x23: {  	[sflag:s17] =	ssyncset.done $0x0  }
0x24: {  	[sflag:s17] =	ssyncadd.s32 $0xFFFFD800  }
0x25: {  	[bflag:$0x0] =	sbarrier.arrive $0xFFFF  }
0x26: {  	[tilespmem:s21], [sflag:$0x1] =	stream.indirect.gather [spmem:s1], $0x40, s4, s20, $0xb8;
	[tilespmem:$0x1CC40] =	vst v63  }
0x27: {  	_ =	swait.ge [sflag:s23], $0x2000  }
0x28: {  	[sflag:s23] =	ssyncset.done $0x0  }
0x29: {  	[sflag:s23] =	ssyncadd.s32 $0xFFFFE000  }
0x2a: {  	[tilespmem:s22], [sflag:$0x1] =	stream.indirect.gather [spmem:s1], $0x40, s20, s20, $0xb8;
	[tilespmem:$0x1CC40] =	vst v63  }
0x2b: {  	_ = 	snop  }
0x2c: {  	[spmem:s3] =	stream.indirect.scatter.add.f32 [tilespmem:s21], [sflag:$0x2], $0x40, s19, s20, $0xb8;
	[tilespmem:$0x1CC40] =	vst v63  }
0x2d: {  	s28 =	simm.s32 $0x400;
	p0 =	por $0x1, $0x1;
	_ =	swait.ge [sflag:s23], $0x2000  }
0x2e: {  	s25 =	sand.u32 $0x1, s23;
	s29 =	simm.s32 $0xFFFF6200;
	[sflag:s23] =	ssyncset.done $0x0  }
0x2f: {  	p2 =	por $0x0, $0x0;
	p1 =	por $0x1, $0x1;
	[sflag:s23] =	ssyncadd.s32 $0xFFFFE000  }
0x30: {  	s0 =	simm.s32 $0x200;
	s30 =	simm.s32 @p2 $0x0;
	_ =	swait.ge [sflag:s24], $0x2000  }
0x31: {  	p3 =	por @!p2 $0x1, $0x1;
	s31 =	simm.s32 @p2 $0x2800;
	[sflag:s24] =	ssyncset.done $0x0  }
0x32: {  	s2 =	sshll.u32 s25, $0xD;
	s29 =	smov.u32 @p1 s0;
	[sflag:s24] =	ssyncadd.s32 $0xFFFFE000  }
0x33: {  	[tilespmem:s31], [sflag:$0x3] =	stream.linear.gather @p2 [hbm4b:s11+s30], $0x2800, $0x38;
	[tilespmem:$0x1CC40] =	vst v63  }
0x34: {  	s0 =	simm.s32 @p2 $0x3;
	p1 =	por p3, p2;
	s30 =	simm.s32 $0x1  }
0x35: {  	s29 =	sshra.s32 s29, $0x2;
	_ =	swait.ge @p2 [sflag:s0], $0x2800;
	s30 =	simm.s32 @!p0 $0xFFFFFFB1  }
0x36: {  	s31 =	simm.s32 @!p1 $0x0;
	[sflag:s0] =	ssyncset.done @p2 $0x0;
	s30 =	sadd.s32 $0x1, s30  }
0x37: {  	[sflag:s0] =	ssyncadd.s32 @p2 $0xFFFFD800;
	s0 =	simm.s32 @!p1 $0x3;
	s15 =	sshll.u32 s30, $0x7  }
0x38: {  	[tilespmem:s31], [sflag:$0x3] =	stream.linear.gather @!p1 [hbm4b:s10+s31], $0x2800, $0x38;
	[tilespmem:$0x1CC40] =	vst v63  }
0x39: {  	s30 =	sor.u32 $0x5000, s2;
	s31 =	sxor.u32 $0x2000, s2;
	_ =	swait.ge @!p1 [sflag:s0], $0x2800  }
0x3a: {  	s2 =	sand.u32 $0x3FFFFF80, s15;
	s31 =	sor.u32 $0x5000, s31;
	[sflag:s0] =	ssyncset.done @!p1 $0x0  }
0x3b: {  	[sflag:s0] =	ssyncadd.s32 @!p1 $0xFFFFD800;
	s0 =	sadd.s32 $0x2800, s29;
	s29 =	simm.s32 $0x2  }
.LBB2_2:
0x3c: {  	[tilespmem:s31], [sflag:$0x1] =	stream.indirect.gather [spmem:s1], $0x40, s2, s20, $0xb8;
	[tilespmem:$0x1CC40] =	vst v63  }
0x3d: {  	s2 =	smov.u32 s28;
	s28 =	sadd.s32 $0x200, s28  }
0x3e: {  	[spmem:s3] =	stream.indirect.scatter.add.f32 [tilespmem:s30], [sflag:$0x2], $0x40, s0, s20, $0xb8;
	[tilespmem:$0x1CC40] =	vst v63  }
0x3f: {  	p0 =	sne.s32 s28, $0x13E00;
	_ =	swait.ge [sflag:s23], $0x2000  }
0x40: {  	p1 =	slt.u32 s29, $0x4F;
	p3 =	seq.s32 s29, $0x50;
	[sflag:s23] =	ssyncset.done $0x0  }
0x41: {  	s15 =	sadd.s32 $0xFFFF6000, s2;
	s0 =	sand.u32 $0x1, s29;
	[sflag:s23] =	ssyncadd.s32 $0xFFFFE000  }
0x42: {  	p2 =	slt.u32 s29, $0x50;
	p4 =	sne.s32 @!p3 s29, $0x4F;
	_ =	swait.ge [sflag:s24], $0x2000  }
0x43: {  	s31 =	simm.s32 @p3 $0x2800;
	s30 =	simm.s32 @p3 $0x0;
	[sflag:s24] =	ssyncset.done $0x0  }
0x44: {  	s16 =	simm.s32 @p3 $0x3;
	s15 =	smov.u32 @p2 s2;
	p2 =	por p4, p3  }
0x45: {  	s15 =	sshra.s32 s15, $0x2;
	s0 =	sshll.u32 s0, $0xD;
	[sflag:s24] =	ssyncadd.s32 $0xFFFFE000  }
0x46: {  	[tilespmem:s31], [sflag:$0x3] =	stream.linear.gather @p3 [hbm4b:s11+s30], $0x2800, $0x38;
	[tilespmem:$0x1CC40] =	vst v63  }
0x47: {  	s2 =	simm.s32 @!p2 $0x0;
	s30 =	simm.s32 $0x1;
	_ =	swait.ge @p3 [sflag:s16], $0x2800  }
0x48: {  	s25 =	simm.s32 @!p2 $0x3;
	s30 =	simm.s32 @!p1 $0xFFFFFFB1;
	[sflag:s16] =	ssyncset.done @p3 $0x0  }
0x49: {  	[sflag:s16] =	ssyncadd.s32 @p3 $0xFFFFD800  }
.Ltmp0:
0x4a: {  	s16 =	sadd.s32 s29, s30;
	s30 =	sxor.u32 $0x2000, s0;
	(pc) =	sbr.rel @p0 .LBB2_2-.Ltmp0, $4  }
0x4b: {  	[tilespmem:s2], [sflag:$0x3] =	stream.linear.gather @!p2 [hbm4b:s10+s2], $0x2800, $0x38;
	[tilespmem:$0x1CC40] =	vst v63  }
0x4c: {  	s31 =	sor.u32 $0x5000, s30;
	s2 =	sshll.u32 s16, $0x7;
	_ =	swait.ge @!p2 [sflag:s25], $0x2800  }
0x4d: {  	s30 =	sor.u32 $0x5000, s0;
	s2 =	sand.u32 $0x3FFFFF80, s2;
	[sflag:s25] =	ssyncset.done @!p2 $0x0  }
0x4e: {  	s29 =	sadd.s32 $0x1, s29;
	s0 =	sadd.s32 $0x2800, s15;
	[sflag:s25] =	ssyncadd.s32 @!p2 $0xFFFFD800  }
0x4f: {  	[tilespmem:s31], [sflag:$0x1] =	stream.indirect.gather [spmem:s1], $0x40, s2, s20, $0xb8;
	[tilespmem:$0x1CC40] =	vst v63  }
0x50: {  	_ = 	snop  }
0x51: {  	[spmem:s3] =	stream.indirect.scatter.add.f32 [tilespmem:s30], [sflag:$0x2], $0x40, s0, s20, $0xb8;
	[tilespmem:$0x1CC40] =	vst v63  }
0x52: {  	_ =	swait.ge [sflag:s23], $0x2000  }
0x53: {  	[sflag:s23] =	ssyncset.done $0x0  }
0x54: {  	[sflag:s23] =	ssyncadd.s32 $0xFFFFE000  }
0x55: {  	_ =	swait.ge [sflag:s24], $0x2000  }
0x56: {  	[sflag:s24] =	ssyncset.done $0x0  }
0x57: {  	s31 =	simm.s32 $0x4F80;
	[sflag:s24] =	ssyncadd.s32 $0xFFFFE000  }
0x58: {  	[spmem:s3] =	stream.indirect.scatter.add.f32 [tilespmem:s22], [sflag:$0x2], $0x40, s31, s20, $0xb8;
	[tilespmem:$0x1CC40] =	vst v63  }
0x59: {  	_ =	swait.ge [sflag:s24], $0x2000  }
0x5a: {  	s26 =	sadd.s32 $0x1, s26;
	[sflag:s24] =	ssyncset.done $0x0  }
0x5b: {  	p0 =	sne.s32 s26, s13;
	[sflag:s24] =	ssyncadd.s32 $0xFFFFE000  }
.Ltmp1:
0x5c: {  	[bflag:$0x0] =	sbarrier.arrive $0xFFFF;
	(pc) =	sbr.rel @p0 .LBB2_1-.Ltmp1, $4  }
0x5d: {  	[hbm:s12], [sflag:s7] =	dma.local [spmem:s18], $0x1400  }
0x5e: {  	_ =	swait.ge [sflag:s17], $0x1400  }
0x5f: {  	[sflag:s17] =	ssyncset.done $0x0  }
0x60: {  	[sflag:s17] =	ssyncadd.s32 $0xFFFFEC00  }
0x61: {  	_ =	sfence.sel $0x180000  }
0x62: {  	[bflag:$0x0] =	sbarrier.arrive $0xFFFF  }
0x63: {  	_ =	strace $0x9000004A  }
0x64: {  	s0 =	stileid.u32;
	[bflag:$0x2] =	sbarrier.arrive $0xFFFF  }
0x65: {  	p0 =	sne.s32 s0, $0x0;
	s0 =	rddreg [dreg:$0x4]  }
0x66: {  	s0 =	sadd.s32 @!p0 $0x100000, s0  }
0x67: {  	[sflag:s0] =	ssyncadd.tile.s32 @!p0 $0x1;
	_ =	shalt  }
.Lfunc_end2:
_tile_overlayer_lowered:
.L_overlay_start_2:
0x68: {  	(tag) =	ssettag $0x2  }
0x69: {  	s0 =	rddreg [dreg:$0x0];
	s2 =	stileid.u32  }
0x6a: {  	s1 =	rddreg [dreg:$0x1];
	p0 =	sne.s32 s2, $0x0  }
0x6b: {  	s3 =	rddreg [dreg:$0x2];
	[bflag:$0x3] =	sbarrier.arrive $0xFFFF;
	s2 =	simm.s32 @!p0 $0x1C03  }
0x6c: {  	[timem:s3], [sflag:s2] =	dma.local @!p0 [hbm:s0], s1  }
0x6d: {  	s0 =	simm.s32 @!p0 $0x3  }
0x6e: {  	_ =	swait.ge @!p0 [sflag:s0], s1  }
0x6f: {  	s1 =	ssub.s32 @!p0 $0x0, s1;
	[sflag:s0] =	ssyncset.done @!p0 $0x0  }
0x70: {  	[sflag:s0] =	ssyncadd.s32 @!p0 s1  }
0x71: {  	[bflag:$0x3] =	sbarrier.arrive $0xFFFF  }
0x72: {  	_ =	shalt  }

// kernel: kernel.7.cloned.1.call-start
scs
__scs_entry_jumppad:
0x0: {  	(pc) =	sbr.rel $0x88, $3  }
0x1: {  	(tag) =	ssettag $0x0;
	lr =	simm.s32 $0x1  }
0x2: {  	[smem:$0x3F99] =	sst lr;
	_ =	strace $0xD0000000  }
0x3: {  	_ = 	snop  }
0x4: {  	_ = 	snop  }
0x5: {  	_ = 	snop  }
0x6: {  	_ = 	snop  }
0x7: {  	_ = 	snop  }
__scs_overlays_trampoline_lowered:
0x8: {  	[smem:$0x3FA8] =	sst s0  }
0x9: {  	[smem:$0x3FA9] =	sst s1  }
0xa: {  	[smem:$0x3FAA] =	sst s2  }
0xb: {  	[smem:$0x3FAB] =	sst s3  }
0xc: {  	[smem:$0x3FAC] =	sst s4  }
0xd: {  	[smem:$0x3FAD] =	sst s5  }
0xe: {  	[smem:$0x3FAE] =	sst s6  }
0xf: {  	[smem:$0x3FAF] =	sst s7  }
0x10: {  	[smem:$0x3FB0] =	sst s8  }
0x11: {  	[smem:$0x3FB1] =	sst s9;
	s0 =	simm.s32 @!p0 $0x0  }
0x12: {  	s1 =	sld [smem:$0x3F97];
	s0 =	simm.s32 @p0 $0x1  }
0x13: {  	[smem:$0x3FB2] =	sst s0;
	s0 =	simm.s32 @!p1 $0x0  }
0x14: {  	s2 =	sld [smem:$0x3F96];
	s0 =	simm.s32 @p1 $0x1  }
0x15: {  	[smem:$0x3FB3] =	sst s0;
	s0 =	simm.s32 @!p2 $0x0  }
0x16: {  	s3 =	sld [smem:$0x3FDB];
	s0 =	simm.s32 @p2 $0x1  }
0x17: {  	s4 =	simm.s32 $0x1BF5;
	[smem:$0x3FB5] =	sst s0  }
0x18: {  	s0 =	sld [smem:$0x3F98];
	_ =	swait.ge [sflag:s4], $0x0  }
0x19: {  	s7 =	sld [smem:$0x3F99]  }
0x1a: {  	s8 =	sadd.s32 $0xFFFFE003, lr  }
0x1b: {  	s9 =	sadd.s32 $0xFFFFFEF7, lr;
	s5 =	simm.s32 $0xFFFFFFFF;
	p2 =	slt.u32 s8, $0xFFFFF086  }
0x1c: {  	p1 =	slt.u32 s9, $0xF7A;
	s5 =	simm.s32 @!p2 $0x0  }
0x1d: {  	s5 =	simm.s32 @p1 $0x1;
	p0 =	seq.s32 s7, s2  }
0x1e: {  	s7 =	smul.u32 @!p0 $0xF7A, s2;
	p2 =	seq.s32 @!p0 s5, $0x0  }
0x1f: {  	s9 =	smul.u32 $0xF7A, s1;
	s8 =	simm.s32 @!p0 $0x1BF5;
	p2 =	por !p2, p0  }
0x20: {  	[sflag:s8] =	ssyncset.s32 @!p0 $0xFFFFF086;
	s6 =	sadd.s32 @!p0 s3, s7;
	s7 =	simm.s32 @!p0 $0x108  }
0x21: {  	s3 =	sadd.s32 s3, s9;
	s6 =	sadd.s32 @!p0 $0x88, s6;
	s7 =	simm.s32 @p2 $0x1082  }
0x22: {  	[simem:s7], [sflag:s8] =	dma.local @!p0 [hbm:s6], $0xF7A  }
0x23: {  	s9 =	sor.u32 $0xD0000000, s2;
	s6 =	simm.s32 $0x108;
	_ =	swait.ge @!p0 [sflag:s8], $0x0  }
0x24: {  	s3 =	sadd.s32 $0x88, s3;
	s6 =	simm.s32 @!p1 $0x1082;
	[sflag:s4] =	ssyncset.s32 $0xFFFFF086  }
0x25: {  	[simem:s6], [sflag:s4] =	dma.local [hbm:s3], $0xF7A  }
0x26: {  	[smem:$0x3F99] =	sst s1;
	(tag) =	ssettag s2;
	_ =	strace s9  }
0x27: {  	s1 =	sld [smem:$0x3FA9]  }
0x28: {  	s2 =	sld [smem:$0x3FAA]  }
0x29: {  	s4 =	sld [smem:$0x3FAC]  }
0x2a: {  	p0 =	seq.s32 s5, $0x0;
	s5 =	sld [smem:$0x3FAD]  }
0x2b: {  	s6 =	sld [smem:$0x3FAE]  }
0x2c: {  	s7 =	sld [smem:$0x3FAF]  }
0x2d: {  	s3 =	simm.s32 $0x108;
	s8 =	sld [smem:$0x3FB0]  }
0x2e: {  	s3 =	simm.s32 @!p0 $0x1082;
	s9 =	sld [smem:$0x3FB1]  }
0x2f: {  	lr =	sadd.s32 s0, s3;
	s0 =	sld [smem:$0x3FA8]  }
0x30: {  	s3 =	sld [smem:$0x3FAB]  }
0x31: {  	[smem:$0x3FB4] =	sst s10  }
0x32: {  	s10 =	sld [smem:$0x3FB2];
	_ =	sdelay $0x3  }
0x33: {  	p0 =	seq.s32 s10, $0x1;
	s10 =	sld [smem:$0x3FB4];
	_ =	sdelay $0x3  }
0x34: {  	[smem:$0x3FB4] =	sst s10  }
0x35: {  	s10 =	sld [smem:$0x3FB3];
	_ =	sdelay $0x3  }
0x36: {  	p1 =	seq.s32 s10, $0x1;
	s10 =	sld [smem:$0x3FB4];
	_ =	sdelay $0x3  }
0x37: {  	[smem:$0x3FB4] =	sst s10  }
0x38: {  	s10 =	sld [smem:$0x3FB5]  }
0x39: {  	_ = 	snop;
	(pc) =	sbr.ind lr, $3  }
0x3a: {  	_ = 	snop  }
0x3b: {  	_ = 	snop  }
0x3c: {  	p2 =	seq.s32 s10, $0x1;
	s10 =	sld [smem:$0x3FB4]  }
0x3d: {  	_ =	shalt  }
0x3e: {  	_ =	shalt  }
0x3f: {  	_ =	shalt  }
0x40: {  	_ =	shalt  }
0x41: {  	_ =	shalt  }
0x42: {  	_ =	shalt  }
0x43: {  	_ =	shalt  }
0x44: {  	_ =	shalt  }
0x45: {  	_ =	shalt  }
0x46: {  	_ =	shalt  }
0x47: {  	_ =	shalt  }
0x48: {  	_ =	shalt  }
0x49: {  	_ =	shalt  }
0x4a: {  	_ =	shalt  }
0x4b: {  	_ =	shalt  }
0x4c: {  	_ =	shalt  }
0x4d: {  	_ =	shalt  }
0x4e: {  	_ =	shalt  }
0x4f: {  	_ =	shalt  }
0x50: {  	_ =	shalt  }
0x51: {  	_ =	shalt  }
0x52: {  	_ =	shalt  }
0x53: {  	_ =	shalt  }
0x54: {  	_ =	shalt  }
0x55: {  	_ =	shalt  }
0x56: {  	_ =	shalt  }
0x57: {  	_ =	shalt  }
0x58: {  	_ =	shalt  }
0x59: {  	_ =	shalt  }
0x5a: {  	_ =	shalt  }
0x5b: {  	_ =	shalt  }
0x5c: {  	_ =	shalt  }
0x5d: {  	_ =	shalt  }
0x5e: {  	_ =	shalt  }
0x5f: {  	_ =	shalt  }
0x60: {  	_ =	shalt  }
0x61: {  	_ =	shalt  }
0x62: {  	_ =	shalt  }
0x63: {  	_ =	shalt  }
0x64: {  	_ =	shalt  }
0x65: {  	_ =	shalt  }
0x66: {  	_ =	shalt  }
0x67: {  	_ =	shalt  }
0x68: {  	_ =	shalt  }
0x69: {  	_ =	shalt  }
0x6a: {  	_ =	shalt  }
0x6b: {  	_ =	shalt  }
0x6c: {  	_ =	shalt  }
0x6d: {  	_ =	shalt  }
0x6e: {  	_ =	shalt  }
0x6f: {  	_ =	shalt  }
0x70: {  	_ =	shalt  }
0x71: {  	_ =	shalt  }
0x72: {  	_ =	shalt  }
0x73: {  	_ =	shalt  }
0x74: {  	_ =	shalt  }
0x75: {  	_ =	shalt  }
0x76: {  	_ =	shalt  }
0x77: {  	_ =	shalt  }
0x78: {  	_ =	shalt  }
0x79: {  	_ =	shalt  }
0x7a: {  	_ =	shalt  }
0x7b: {  	_ =	shalt  }
0x7c: {  	_ =	shalt  }
0x7d: {  	_ =	shalt  }
0x7e: {  	_ =	shalt  }
0x7f: {  	_ =	shalt  }
0x80: {  	_ =	shalt  }
0x81: {  	_ =	shalt  }
0x82: {  	_ =	shalt  }
0x83: {  	_ =	shalt  }
0x84: {  	_ =	shalt  }
0x85: {  	_ =	shalt  }
0x86: {  	_ =	shalt  }
0x87: {  	_ =	shalt  }
.Lfunc_end0:
.L_simem_size_0:
called_computation_lowered:
.L_overlay_start_0:
0x88: {  	s2 =	sld [smem:$0x3FD9]  }
0x89: {  	s3 =	sld [smem:$0x3FFE];
	_ =	sdelay $0x1  }
0x8a: {  	s1 =	srdreg.scid  }
0x8b: {  	s0 =	sand.u32 $0x1, s1  }
0x8c: {  	s17 =	sshll.u32 s0, $0xA;
	s2 =	sadd.s32 s3, s2  }
0x8d: {  	s2 =	sadd.s32 s2, s17  }
0x8e: {  	[smem:$0x3FC0] =	sst s2  }
0x8f: {  	_ = 	snop  }
0x90: {  	s2 =	sld [smem:$0x3FC9];
	(tm) =	ssettm $0x1  }
0x91: {  	s18 =	sld [smem:$0x3FFB];
	_ =	sdelay $0x3  }
0x92: {  	_ =	strace s18  }
0x93: {  	s3 =	sld [smem:$0x3FFC];
	_ =	sdelay $0x3  }
0x94: {  	_ =	strace s3  }
0x95: {  	s3 =	sld [smem:$0x3FFD];
	_ =	sdelay $0x3  }
0x96: {  	_ =	strace s3  }
0x97: {  	_ =	strace $0x8FFFFFFF  }
0x98: {  	s19 =	sld [smem:$0x3FDB];
	_ =	sdelay $0x1  }
0x99: {  	s4 =	simm.s32 $_scs_section_size  }
0x9a: {  	s5 =	simm.s32 $_size__tile_overlayer_lowered;
	s6 =	simm.s32 $_tile_overlayer_lowered  }
0x9b: {  	s22 =	simm.s32 $0x1BFF;
	s21 =	sshll.u32 s6, $0x1;
	s3 =	sadd.s32 s4, s19  }
0x9c: {  	s7 =	simm.s32 $0x0;
	s20 =	sshll.u32 s5, $0x1;
	s5 =	sadd.s32 s21, s3  }
0x9d: {  	[timem:s7], [sflag:s22] =	dma.local [hbm:s5], s20  }
0x9e: {  	_ =	swait.ge [sflag:s22], s20  }
0x9f: {  	s4 =	ssub.s32 $0x0, s20;
	[sflag:s22] =	ssyncset.done $0x0  }
0xa0: {  	[sflag:s22] =	ssyncadd.s32 s4;
	_ =	sdelay $0x1  }
0xa1: {  	s23 =	simm.s32 $0x1B8B  }
0xa2: {  	_ =	swait.ge [sflag:s23], $0x1  }
0xa3: {  	[sflag:s23] =	ssyncset.done $0x0  }
0xa4: {  	s25 =	simm.s32 $0x1B8E;
	s24 =	sld [smem:$0x3FFE];
	[sflag:s23] =	ssyncadd.s32 $0xFFFFFFFF  }
0xa5: {  	s26 =	simm.s32 $execute0_lowered;
	[smem:$0x3FD2] =	sst s25  }
0xa6: {  	s5 =	sshll.u32 s26, $0x1;
	_ =	strace $0x80000046;
	[dreg:$0x1] =	wrdreg $0xFFFFFFFF  }
0xa7: {  	s28 =	simm.s32 $_size_execute0_lowered;
	s3 =	sadd.s32 s3, s5;
	[dreg:$0x0] =	wrdreg $0x0  }
0xa8: {  	s5 =	sshll.u32 s28, $0x1;
	[dreg:$0x2] =	wrdreg s3  }
0xa9: {  	[dreg:$0x3] =	wrdreg s5  }
0xaa: {  	[dreg:$0x4] =	wrdreg $0xC0  }
0xab: {  	_ =	task [dreg:s7], $0x5FFFF  }
0xac: {  	[dreg:$0x1] =	wrdreg $0xFFFFFFFF  }
0xad: {  	[dreg:$0x0] =	wrdreg $0x60  }
0xae: {  	[dreg:$0x2] =	wrdreg s2  }
0xaf: {  	[dreg:$0x3] =	wrdreg s24  }
0xb0: {  	[dreg:$0x4] =	wrdreg $0x130000  }
0xb1: {  	[dreg:$0x5] =	wrdreg $0x90000  }
0xb2: {  	[dreg:$0x6] =	wrdreg $0x9  }
0xb3: {  	_ =	task.clear_ibuf [dreg:s7], $0x7FFFF;
	_ =	strace $0x90000046  }
0xb4: {  	s29 =	simm.s32 $0x9;
	_ =	strace $0x80000048  }
0xb5: {  	_ =	swait.ge [sflag:s29], $0x1  }
0xb6: {  	[sflag:s29] =	ssyncadd.s32 $0xFFFFFFFF  }
0xb7: {  	_ =	strace $0x90000048  }
0xb8: {  	_ =	sfence  }
0xb9: {  	s30 =	sld [smem:$0x0];
	_ =	sdelay $0x2  }
0xba: {  	s31 =	sshll.u32 s1, $0xD;
	s1 =	sshrl.u32 s1, $0x2  }
0xbb: {  	s3 =	sand.u32 $0x4000, s31;
	s1 =	sadd.s32 s1, s30  }
0xbc: {  	s0 =	sor.u32 s3, s0;
	s1 =	sshll.u32 s1, $0x11  }
0xbd: {  	s0 =	sor.u32 s1, s0  }
0xbe: {  	s0 =	sadd.s32 $0x8F2B, s0  }
0xbf: {  	[sflag:s0] =	ssyncadd.remote.s32 $0x1  }
0xc0: {  	_ =	sfence.sel $0xFFFF  }
0xc1: {  	[dreg:$0x0] =	wrdreg $0xFFFFFFFF;
	(pc) =	sbr.abs _section_cstart, $3  }
0xc2: {  	[dreg:$0x1] =	wrdreg $0xFFFFFFFF  }
0xc3: {  	_ =	task.clear_ibuf [dreg:s7], $0x2FFFF;
	_ =	strace $0x9FFFFFFF  }
0xc4: {  	(tm) =	ssettm $0x7FFFFFFF  }
0xc5: {  	_ =	shalt  }
tec
execute0_lowered:
.L_overlay_start_1:
0x0: {  	(tag) =	ssettag $0x1  }
0x1: {  	s0 =	rddreg [dreg:$0x0]  }
0x2: {  	s2 =	rddreg [dreg:$0x1]  }
0x3: {  	s1 =	rddreg [dreg:$0x2]  }
0x4: {  	s3 =	rddreg [dreg:$0x3];
	s4 =	simm.s32 $0x0;
	s5 =	srdreg.scid  }
0x5: {  	s15 =	stileid.u32;
	s17 =	simm.s32 $0x3;
	s19 =	simm.s32 $0x2800  }
0x6: {  	s20 =	simm.s32 $0x80;
	s21 =	simm.s32 $0x5000;
	s22 =	simm.s32 $0x7000  }
0x7: {  	s23 =	simm.s32 $0x1;
	s24 =	simm.s32 $0x2;
	s8 =	smul.u32 $0xA000, s15  }
0x8: {  	[smem:$0x7FF] =	sst s4;
	s6 =	sand.u32 $0x1, s5;
	s12 =	smul.u32 $0x13880, s15  }
0x9: {  	s10 =	sadd.s32 $0x1E00, s2;
	s11 =	sadd.s32 $0xBE00, s2;
	s14 =	smul.u32 $0x27100, s15  }
0xa: {  	s5 =	sadd.s32 $0x15E00, s2;
	s28 =	smul.u32 $0x5000, s15;
	s29 =	sshll.u32 s15, $0x6  }
0xb: {  	s7 =	smul.u32 $0xA0000, s6;
	s9 =	ssub.s32 $0x2, s6;
	s6 =	sshll.u32 s6, $0x6  }
0xc: {  	_ =	strace $0x80000047;
	s13 =	sshrl.u32 s9, $0x1;
	s6 =	sor.u32 s6, s12  }
0xd: {  	s26 =	sshrl.u32 s14, $0x2;
	s30 =	sshrl.u32 s28, $0x3;
	s18 =	sadd.s32 s8, s3  }
0xe: {  	s7 =	sadd.s32 s8, s7;
	s13 =	ssub.s32 s9, s13;
	s14 =	sadd.s32 s26, s1  }
0xf: {  	s6 =	sshrl.u32 s6, $0x3;
	s8 =	sadd.s32 s10, s30;
	s31 =	sadd.s32 $0x500, s30  }
0x10: {  	s9 =	sadd.s32 s11, s30;
	s18 =	sshrl.u32 s18, $0x3;
	s26 =	simm.s32 $0x0  }
0x11: {  	s7 =	sshrl.u32 s7, $0x3;
	s6 =	sadd.s32 s0, s6;
	s10 =	sadd.s32 s10, s31  }
0x12: {  	s11 =	sadd.s32 s11, s31;
	s13 =	smax.u32 s13, $0x1;
	s2 =	sadd.s32 s7, s2  }
0x13: {  	s14 =	sshrl.u32 s14, $0x3;
	s7 =	sor.u32 $0x1C03, s29;
	s12 =	sadd.s32 $0x17200, s2  }
.LBB2_1:
0x14: {  	s0 =	simm.s32 $0x8;
	s2 =	simm.s32 $0x10  }
0x15: {  	[spmem:s14@s0], [sflag:s7] =	dma.strided [hbm:s6@s2], $0x1388, s23, $0x8   }
0x16: {  	_ =	swait.ge [sflag:s17], $0x1388  }
0x17: {  	[sflag:s17] =	ssyncset.done $0x0  }
0x18: {  	[sflag:s17] =	ssyncadd.s32 $0xFFFFEC78  }
0x19: {  	[spmem:s18], [sflag:s7] =	dma.local [hbm:s5], $0x1400  }
0x1a: {  	_ =	swait.ge [sflag:s17], $0x1400  }
0x1b: {  	[sflag:s17] =	ssyncset.done $0x0  }
0x1c: {  	[sflag:s17] =	ssyncadd.s32 $0xFFFFEC00  }
0x1d: {  	[tilespmem:s4], [sflag:$0x3] =	stream.linear.gather [hbm4b:s8+s4], $0x2800, $0x38;
	[tilespmem:$0x1CC40] =	vst v63  }
0x1e: {  	_ =	swait.ge [sflag:s17], $0x2800  }
0x1f: {  	[sflag:s17] =	ssyncset.done $0x0  }
0x20: {  	[sflag:s17] =	ssyncadd.s32 $0xFFFFD800  }
0x21: {  	[tilespmem:s19], [sflag:$0x3] =	stream.linear.gather [hbm4b:s9+s4], $0x2800, $0x38;
	[tilespmem:$0x1CC40] =	vst v63  }
0x22: {  	_ =	swait.ge [sflag:s17], $0x2800  }
0x23: {  	[sflag:s17] =	ssyncset.done $0x0  }
0x24: {  	[sflag:s17] =	ssyncadd.s32 $0xFFFFD800  }
0x25: {  	[bflag:$0x0] =	sbarrier.arrive $0xFFFF  }
0x26: {  	[tilespmem:s21], [sflag:$0x1] =	stream.indirect.gather [spmem:s1], $0x40, s4, s20, $0xb8;
	[tilespmem:$0x1CC40] =	vst v63  }
0x27: {  	_ =	swait.ge [sflag:s23], $0x2000  }
0x28: {  	[sflag:s23] =	ssyncset.done $0x0  }
0x29: {  	[sflag:s23] =	ssyncadd.s32 $0xFFFFE000  }
0x2a: {  	[tilespmem:s22], [sflag:$0x1] =	stream.indirect.gather [spmem:s1], $0x40, s20, s20, $0xb8;
	[tilespmem:$0x1CC40] =	vst v63  }
0x2b: {  	_ = 	snop  }
0x2c: {  	[spmem:s3] =	stream.indirect.scatter.add.f32 [tilespmem:s21], [sflag:$0x2], $0x40, s19, s20, $0xb8;
	[tilespmem:$0x1CC40] =	vst v63  }
0x2d: {  	s28 =	simm.s32 $0x400;
	p0 =	por $0x1, $0x1;
	_ =	swait.ge [sflag:s23], $0x2000  }
0x2e: {  	s25 =	sand.u32 $0x1, s23;
	s29 =	simm.s32 $0xFFFF6200;
	[sflag:s23] =	ssyncset.done $0x0  }
0x2f: {  	p2 =	por $0x0, $0x0;
	p1 =	por $0x1, $0x1;
	[sflag:s23] =	ssyncadd.s32 $0xFFFFE000  }
0x30: {  	s0 =	simm.s32 $0x200;
	s30 =	simm.s32 @p2 $0x0;
	_ =	swait.ge [sflag:s24], $0x2000  }
0x31: {  	p3 =	por @!p2 $0x1, $0x1;
	s31 =	simm.s32 @p2 $0x2800;
	[sflag:s24] =	ssyncset.done $0x0  }
0x32: {  	s2 =	sshll.u32 s25, $0xD;
	s29 =	smov.u32 @p1 s0;
	[sflag:s24] =	ssyncadd.s32 $0xFFFFE000  }
0x33: {  	[tilespmem:s31], [sflag:$0x3] =	stream.linear.gather @p2 [hbm4b:s11+s30], $0x2800, $0x38;
	[tilespmem:$0x1CC40] =	vst v63  }
0x34: {  	s0 =	simm.s32 @p2 $0x3;
	p1 =	por p3, p2;
	s30 =	simm.s32 $0x1  }
0x35: {  	s29 =	sshra.s32 s29, $0x2;
	_ =	swait.ge @p2 [sflag:s0], $0x2800;
	s30 =	simm.s32 @!p0 $0xFFFFFFB1  }
0x36: {  	s31 =	simm.s32 @!p1 $0x0;
	[sflag:s0] =	ssyncset.done @p2 $0x0;
	s30 =	sadd.s32 $0x1, s30  }
0x37: {  	[sflag:s0] =	ssyncadd.s32 @p2 $0xFFFFD800;
	s0 =	simm.s32 @!p1 $0x3;
	s15 =	sshll.u32 s30, $0x7  }
0x38: {  	[tilespmem:s31], [sflag:$0x3] =	stream.linear.gather @!p1 [hbm4b:s10+s31], $0x2800, $0x38;
	[tilespmem:$0x1CC40] =	vst v63  }
0x39: {  	s30 =	sor.u32 $0x5000, s2;
	s31 =	sxor.u32 $0x2000, s2;
	_ =	swait.ge @!p1 [sflag:s0], $0x2800  }
0x3a: {  	s2 =	sand.u32 $0x3FFFFF80, s15;
	s31 =	sor.u32 $0x5000, s31;
	[sflag:s0] =	ssyncset.done @!p1 $0x0  }
0x3b: {  	[sflag:s0] =	ssyncadd.s32 @!p1 $0xFFFFD800;
	s0 =	sadd.s32 $0x2800, s29;
	s29 =	simm.s32 $0x2  }
.LBB2_2:
0x3c: {  	[tilespmem:s31], [sflag:$0x1] =	stream.indirect.gather [spmem:s1], $0x40, s2, s20, $0xb8;
	[tilespmem:$0x1CC40] =	vst v63  }
0x3d: {  	s2 =	smov.u32 s28;
	s28 =	sadd.s32 $0x200, s28  }
0x3e: {  	[spmem:s3] =	stream.indirect.scatter.add.f32 [tilespmem:s30], [sflag:$0x2], $0x40, s0, s20, $0xb8;
	[tilespmem:$0x1CC40] =	vst v63  }
0x3f: {  	p0 =	sne.s32 s28, $0x13E00;
	_ =	swait.ge [sflag:s23], $0x2000  }
0x40: {  	p1 =	slt.u32 s29, $0x4F;
	p3 =	seq.s32 s29, $0x50;
	[sflag:s23] =	ssyncset.done $0x0  }
0x41: {  	s15 =	sadd.s32 $0xFFFF6000, s2;
	s0 =	sand.u32 $0x1, s29;
	[sflag:s23] =	ssyncadd.s32 $0xFFFFE000  }
0x42: {  	p2 =	slt.u32 s29, $0x50;
	p4 =	sne.s32 @!p3 s29, $0x4F;
	_ =	swait.ge [sflag:s24], $0x2000  }
0x43: {  	s31 =	simm.s32 @p3 $0x2800;
	s30 =	simm.s32 @p3 $0x0;
	[sflag:s24] =	ssyncset.done $0x0  }
0x44: {  	s16 =	simm.s32 @p3 $0x3;
	s15 =	smov.u32 @p2 s2;
	p2 =	por p4, p3  }
0x45: {  	s15 =	sshra.s32 s15, $0x2;
	s0 =	sshll.u32 s0, $0xD;
	[sflag:s24] =	ssyncadd.s32 $0xFFFFE000  }
0x46: {  	[tilespmem:s31], [sflag:$0x3] =	stream.linear.gather @p3 [hbm4b:s11+s30], $0x2800, $0x38;
	[tilespmem:$0x1CC40] =	vst v63  }
0x47: {  	s2 =	simm.s32 @!p2 $0x0;
	s30 =	simm.s32 $0x1;
	_ =	swait.ge @p3 [sflag:s16], $0x2800  }
0x48: {  	s25 =	simm.s32 @!p2 $0x3;
	s30 =	simm.s32 @!p1 $0xFFFFFFB1;
	[sflag:s16] =	ssyncset.done @p3 $0x0  }
0x49: {  	[sflag:s16] =	ssyncadd.s32 @p3 $0xFFFFD800  }
.Ltmp0:
0x4a: {  	s16 =	sadd.s32 s29, s30;
	s30 =	sxor.u32 $0x2000, s0;
	(pc) =	sbr.rel @p0 .LBB2_2-.Ltmp0, $4  }
0x4b: {  	[tilespmem:s2], [sflag:$0x3] =	stream.linear.gather @!p2 [hbm4b:s10+s2], $0x2800, $0x38;
	[tilespmem:$0x1CC40] =	vst v63  }
0x4c: {  	s31 =	sor.u32 $0x5000, s30;
	s2 =	sshll.u32 s16, $0x7;
	_ =	swait.ge @!p2 [sflag:s25], $0x2800  }
0x4d: {  	s30 =	sor.u32 $0x5000, s0;
	s2 =	sand.u32 $0x3FFFFF80, s2;
	[sflag:s25] =	ssyncset.done @!p2 $0x0  }
0x4e: {  	s29 =	sadd.s32 $0x1, s29;
	s0 =	sadd.s32 $0x2800, s15;
	[sflag:s25] =	ssyncadd.s32 @!p2 $0xFFFFD800  }
0x4f: {  	[tilespmem:s31], [sflag:$0x1] =	stream.indirect.gather [spmem:s1], $0x40, s2, s20, $0xb8;
	[tilespmem:$0x1CC40] =	vst v63  }
0x50: {  	_ = 	snop  }
0x51: {  	[spmem:s3] =	stream.indirect.scatter.add.f32 [tilespmem:s30], [sflag:$0x2], $0x40, s0, s20, $0xb8;
	[tilespmem:$0x1CC40] =	vst v63  }
0x52: {  	_ =	swait.ge [sflag:s23], $0x2000  }
0x53: {  	[sflag:s23] =	ssyncset.done $0x0  }
0x54: {  	[sflag:s23] =	ssyncadd.s32 $0xFFFFE000  }
0x55: {  	_ =	swait.ge [sflag:s24], $0x2000  }
0x56: {  	[sflag:s24] =	ssyncset.done $0x0  }
0x57: {  	s31 =	simm.s32 $0x4F80;
	[sflag:s24] =	ssyncadd.s32 $0xFFFFE000  }
0x58: {  	[spmem:s3] =	stream.indirect.scatter.add.f32 [tilespmem:s22], [sflag:$0x2], $0x40, s31, s20, $0xb8;
	[tilespmem:$0x1CC40] =	vst v63  }
0x59: {  	_ =	swait.ge [sflag:s24], $0x2000  }
0x5a: {  	s26 =	sadd.s32 $0x1, s26;
	[sflag:s24] =	ssyncset.done $0x0  }
0x5b: {  	p0 =	sne.s32 s26, s13;
	[sflag:s24] =	ssyncadd.s32 $0xFFFFE000  }
.Ltmp1:
0x5c: {  	[bflag:$0x0] =	sbarrier.arrive $0xFFFF;
	(pc) =	sbr.rel @p0 .LBB2_1-.Ltmp1, $4  }
0x5d: {  	[hbm:s12], [sflag:s7] =	dma.local [spmem:s18], $0x1400  }
0x5e: {  	_ =	swait.ge [sflag:s17], $0x1400  }
0x5f: {  	[sflag:s17] =	ssyncset.done $0x0  }
0x60: {  	[sflag:s17] =	ssyncadd.s32 $0xFFFFEC00  }
0x61: {  	_ =	sfence.sel $0x180000  }
0x62: {  	[bflag:$0x0] =	sbarrier.arrive $0xFFFF  }
0x63: {  	_ =	strace $0x90000047  }
0x64: {  	s0 =	stileid.u32;
	[bflag:$0x2] =	sbarrier.arrive $0xFFFF  }
0x65: {  	p0 =	sne.s32 s0, $0x0;
	s0 =	rddreg [dreg:$0x4]  }
0x66: {  	s0 =	sadd.s32 @!p0 $0x100000, s0  }
0x67: {  	[sflag:s0] =	ssyncadd.tile.s32 @!p0 $0x1;
	_ =	shalt  }
.Lfunc_end2:
_tile_overlayer_lowered:
.L_overlay_start_2:
0x68: {  	(tag) =	ssettag $0x2  }
0x69: {  	s0 =	rddreg [dreg:$0x0];
	s2 =	stileid.u32  }
0x6a: {  	s1 =	rddreg [dreg:$0x1];
	p0 =	sne.s32 s2, $0x0  }
0x6b: {  	s3 =	rddreg [dreg:$0x2];
	[bflag:$0x3] =	sbarrier.arrive $0xFFFF;
	s2 =	simm.s32 @!p0 $0x1C03  }
0x6c: {  	[timem:s3], [sflag:s2] =	dma.local @!p0 [hbm:s0], s1  }
0x6d: {  	s0 =	simm.s32 @!p0 $0x3  }
0x6e: {  	_ =	swait.ge @!p0 [sflag:s0], s1  }
0x6f: {  	s1 =	ssub.s32 @!p0 $0x0, s1;
	[sflag:s0] =	ssyncset.done @!p0 $0x0  }
0x70: {  	[sflag:s0] =	ssyncadd.s32 @!p0 s1  }
0x71: {  	[bflag:$0x3] =	sbarrier.arrive $0xFFFF  }
0x72: {  	_ =	shalt  }

</sc_bundles>
